<compile_context>
chip_gen: v7x
topology: tpu7x:2x2x1
jax: 0.10.2.dev20260603
libtpu: 0.0.44.dev20260713+nightly
codegen_flags: <defaults>
</compile_context>

<pallas_src>
import functools
import math

import jax
import jax.numpy as jnp
from jax import lax
from jax.experimental import pallas as pl
from jax.experimental.pallas import tpu as pltpu
from jax.experimental.pallas import tpu_sc as plsc

_C = 81
_NP = 5000
_FD = 1024
_IMG = 1024.0
_ST = 0.05
_NT = 0.5
_DET = 100
_K = 200
_WXY = 10.0
_WWH = 5.0
_CLIP = float(math.log(1000.0 / 16.0))
_NEG = -1e10
_DEAD = -2e10
_NPAD = 5120
_NC1 = _C - 1


def _prep_body(logit_ref, rel_ref, pb_ref, probs_ref, dec_ref):
    x = logit_ref[...]
    m = jnp.max(x, axis=1, keepdims=True)
    e = jnp.exp(x - m)
    p = e / jnp.sum(e, axis=1, keepdims=True)
    probs_ref[...] = jnp.where(p > _ST, p, _NEG)

    b = pb_ref[...]
    x1 = b[:, 0:1]
    y1 = b[:, 1:2]
    x2 = b[:, 2:3]
    y2 = b[:, 3:4]
    widths = x2 - x1 + 1.0
    heights = y2 - y1 + 1.0
    ctr_x = x1 + 0.5 * widths
    ctr_y = y1 + 0.5 * heights
    dx = rel_ref[0] / _WXY
    dy = rel_ref[1] / _WXY
    dw = jnp.minimum(rel_ref[2] / _WWH, _CLIP)
    dh = jnp.minimum(rel_ref[3] / _WWH, _CLIP)
    pred_ctr_x = dx * widths + ctr_x
    pred_ctr_y = dy * heights + ctr_y
    pred_w = jnp.exp(dw) * widths
    pred_h = jnp.exp(dh) * heights
    ox1 = pred_ctr_x - 0.5 * pred_w
    oy1 = pred_ctr_y - 0.5 * pred_h
    ox2 = pred_ctr_x + 0.5 * pred_w - 1.0
    oy2 = pred_ctr_y + 0.5 * pred_h - 1.0
    dec_ref[0] = jnp.clip(ox1, 0.0, _IMG - 1.0)
    dec_ref[1] = jnp.clip(oy1, 0.0, _IMG - 1.0)
    dec_ref[2] = jnp.clip(ox2, 0.0, _IMG - 1.0)
    dec_ref[3] = jnp.clip(oy2, 0.0, _IMG - 1.0)


def _prep(class_logit, rel4, proposal_boxes):
    rows = 1000
    grid = _NP // rows
    return pl.pallas_call(
        _prep_body,
        grid=(grid,),
        in_specs=[
            pl.BlockSpec((rows, _C), lambda i: (i, 0)),
            pl.BlockSpec((4, rows, _C), lambda i: (0, i, 0)),
            pl.BlockSpec((rows, 4), lambda i: (i, 0)),
        ],
        out_specs=[
            pl.BlockSpec((rows, _C), lambda i: (i, 0)),
            pl.BlockSpec((4, rows, _C), lambda i: (0, i, 0)),
        ],
        out_shape=[
            jax.ShapeDtypeStruct((_NP, _C), jnp.float32),
            jax.ShapeDtypeStruct((4, _NP, _C), jnp.float32),
        ],
    )(class_logit, rel4, proposal_boxes)


def _boxgather_body(dec_ref, ti_ref, out_ref):
    tcol = ti_ref[0]
    n_iota = lax.broadcasted_iota(jnp.int32, (_K, _NP), 1)
    oh = jnp.where(n_iota == tcol, 1.0, 0.0)
    out_ref[0] = jnp.dot(oh, dec_ref[0],
                         preferred_element_type=jnp.float32)


def _boxgather(dec2, topi3):
    return pl.pallas_call(
        _boxgather_body,
        grid=(_NC1,),
        in_specs=[
            pl.BlockSpec((1, _NP, 4), lambda c: (c + 1, 0, 0)),
            pl.BlockSpec((1, _K, 1), lambda c: (c, 0, 0)),
        ],
        out_specs=pl.BlockSpec((1, _K, 4), lambda c: (c, 0, 0)),
        out_shape=jax.ShapeDtypeStruct((_NC1, _K, 4), jnp.float32),
    )(dec2, topi3)


def _topk_body(s_ref, topv_ref, topi_ref, topg_ref, sc_ref):
    sc_ref[...] = s_ref[...]
    lane = lax.broadcasted_iota(jnp.int32, (_NC1, _NPAD), 1)
    l200 = lax.broadcasted_iota(jnp.int32, (_NC1, _K), 1)

    def body(i, carry):
        accv, acci = carry
        s = sc_ref[...]
        m = jnp.max(s, axis=1, keepdims=True)
        cand = jnp.where(s == m, lane, jnp.int32(2**30))
        idx = jnp.min(cand, axis=1, keepdims=True)
        sc_ref[...] = jnp.where(lane == idx, _DEAD, s)
        accv = jnp.where(l200 == i, m, accv)
        acci = jnp.where(l200 == i, idx, acci)
        return accv, acci

    accv, acci = lax.fori_loop(
        0, _K, body,
        (jnp.full((_NC1, _K), _DEAD, jnp.float32),
         jnp.zeros((_NC1, _K), jnp.int32)))
    topv_ref[...] = accv
    topi_ref[...] = acci
    cls = lax.broadcasted_iota(jnp.int32, (_NC1, _K), 0) + 1
    topg_ref[...] = acci * _C + cls


def _topk(scores):
    return pl.pallas_call(
        _topk_body,
        out_shape=[
            jax.ShapeDtypeStruct((_NC1, _K), jnp.float32),
            jax.ShapeDtypeStruct((_NC1, _K), jnp.int32),
            jax.ShapeDtypeStruct((_NC1, _K), jnp.int32),
        ],
        scratch_shapes=[pltpu.VMEM((_NC1, _NPAD), jnp.float32)],
    )(scores)


def _sc_gather(table, idx, b_per_w):
    n_idx, d = idx.shape[0], table.shape[1]
    mesh = plsc.VectorSubcoreMesh(core_axis_name="c", subcore_axis_name="s")

    @functools.partial(
        pl.kernel,
        mesh=mesh,
        out_type=jax.ShapeDtypeStruct((n_idx, d), jnp.float32),
        scratch_types=[
            pltpu.VMEM((b_per_w,), jnp.int32),
            pltpu.VMEM((b_per_w, d), jnp.float32),
            pltpu.SemaphoreType.DMA,
        ],
    )
    def k(table_hbm, idx_hbm, out_hbm, idx_v, rows_v, sem):
        wid = lax.axis_index("s") * 2 + lax.axis_index("c")
        base = wid * b_per_w
        pltpu.sync_copy(idx_hbm.at[pl.ds(base, b_per_w)], idx_v)
        pltpu.async_copy(table_hbm.at[idx_v], rows_v, sem).wait()
        pltpu.sync_copy(rows_v, out_hbm.at[pl.ds(base, b_per_w)])

    return k(table, idx)


def _nms_body(bx_ref, vt_ref, it_ref, boxes_o, fv_o, lab_o, oidx_o,
              area_ref, keep_ref):
    x1 = bx_ref[0]
    y1 = bx_ref[1]
    x2 = bx_ref[2]
    y2 = bx_ref[3]
    v = vt_ref[...]
    area_ref[...] = (x2 - x1 + 1.0) * (y2 - y1 + 1.0)
    keep_ref[...] = (v > -1e9).astype(jnp.int32)
    area = area_ref[...]
    ridx = lax.broadcasted_iota(jnp.int32, (_K, _NC1), 0)

    def nms_step(i, _):
        x1i = bx_ref[0, pl.ds(i, 1), :]
        y1i = bx_ref[1, pl.ds(i, 1), :]
        x2i = bx_ref[2, pl.ds(i, 1), :]
        y2i = bx_ref[3, pl.ds(i, 1), :]
        ai = area_ref[pl.ds(i, 1), :]
        ki = keep_ref[pl.ds(i, 1), :] != 0
        ltx = jnp.maximum(x1i, x1)
        lty = jnp.maximum(y1i, y1)
        rbx = jnp.minimum(x2i, x2)
        rby = jnp.minimum(y2i, y2)
        w = jnp.maximum(rbx - ltx + 1.0, 0.0)
        h = jnp.maximum(rby - lty + 1.0, 0.0)
        inter = w * h
        iou = inter / (ai + area - inter)
        suppress = (iou > _NT) & ki
        keep = keep_ref[...] != 0
        keep_ref[...] = (keep & ~(suppress & (ridx > i))).astype(jnp.int32)
        return 0

    lax.fori_loop(0, _K, nms_step, 0)
    keep = keep_ref[...] != 0

    cidx = lax.broadcasted_iota(jnp.int32, (_K, _NC1), 1)
    flat = cidx * _K + ridx
    s0 = jnp.where(keep, v, _NEG)
    it = it_ref[...]
    itf = it.astype(jnp.float32)
    lane = lax.broadcasted_iota(jnp.int32, (1, 128), 1)

    def sel_step(k, carry):
        s, fva, xa1, ya1, xa2, ya2, laba, oia = carry
        m = jnp.max(s)
        cand = jnp.where(s == m, flat, jnp.int32(2**30))
        fsel = jnp.min(cand)
        onehot = flat == fsel
        s = jnp.where(onehot, _DEAD, s)
        sel = lane == k

        def pickf(arr):
            return jnp.sum(jnp.where(onehot, arr, 0.0))

        fva = jnp.where(sel, m, fva)
        xa1 = jnp.where(sel, pickf(x1), xa1)
        ya1 = jnp.where(sel, pickf(y1), ya1)
        xa2 = jnp.where(sel, pickf(x2), xa2)
        ya2 = jnp.where(sel, pickf(y2), ya2)
        laba = jnp.where(sel, fsel // _K + 1, laba)
        oia = jnp.where(sel, pickf(itf).astype(jnp.int32), oia)
        return s, fva, xa1, ya1, xa2, ya2, laba, oia

    z = jnp.zeros((1, 128), jnp.float32)
    zi = jnp.zeros((1, 128), jnp.int32)
    carry = lax.fori_loop(0, _DET, sel_step, (s0, z, z, z, z, z, zi, zi))
    _, fva, xa1, ya1, xa2, ya2, laba, oia = carry
    fv_o[...] = fva
    boxes_o[0:1] = xa1[None]
    boxes_o[1:2] = ya1[None]
    boxes_o[2:3] = xa2[None]
    boxes_o[3:4] = ya2[None]
    lab_o[...] = laba
    oidx_o[...] = oia


def _nms_final(bx, vt, it):
    return pl.pallas_call(
        _nms_body,
        out_shape=[
            jax.ShapeDtypeStruct((4, 1, 128), jnp.float32),
            jax.ShapeDtypeStruct((1, 128), jnp.float32),
            jax.ShapeDtypeStruct((1, 128), jnp.int32),
            jax.ShapeDtypeStruct((1, 128), jnp.int32),
        ],
        scratch_shapes=[
            pltpu.VMEM((_K, _NC1), jnp.float32),
            pltpu.VMEM((_K, _NC1), jnp.int32),
        ],
    )(bx, vt, it)


def kernel(class_logit, box_regression, proposal_boxes, features):
    rel4 = jnp.transpose(box_regression.reshape(_NP, _C, 4), (2, 0, 1))
    probs, dec = _prep(class_logit, rel4, proposal_boxes)

    scores = jnp.pad(probs[:, 1:].T, ((0, 0), (0, _NPAD - _NP)),
                     constant_values=_DEAD)
    topv, topi, _ = _topk(scores)

    dec2 = jnp.transpose(dec, (2, 1, 0))
    rows = _boxgather(dec2, topi[:, :, None])
    rows = rows.reshape(-1)

    bx = jnp.transpose(rows.reshape(_NC1, _K, 4), (2, 1, 0))
    boxes_o, fv_o, lab_o, oidx_o = _nms_final(bx, topv.T, topi.T)

    fpad = 256 - _DET
    fidx = jnp.concatenate(
        [oidx_o[0, :_DET],
         (jnp.arange(fpad, dtype=jnp.int32) * 37) % _NP])
    feats = _sc_gather(features, fidx, 256 // 32)[:_DET]

    final_boxes = boxes_o[:, 0, :_DET].T
    return final_boxes, fv_o[0, :_DET], lab_o[0, :_DET], feats

# --- scband reference (transcript-rebuilt; emitter-appended) ---
"""Pipeline reference for scband-post-processor-4243427688630 (READ-ONLY COPY).

The authoritative reference and input builder live on the scoring server;
editing this copy changes nothing except your own understanding.
"""

import jax, jax.numpy as jnp
import numpy as np

NUM_CLASSES = 81
N = 5000
FEAT_DIM = 1024
IMG_W = 1024.0
IMG_H = 1024.0
SCORE_THRESH = 0.05
NMS_THRESH = 0.5
DETECTIONS_PER_IMG = 100
PRE_NMS_TOP = 200
WEIGHTS = (10.0, 10.0, 5.0, 5.0)
BBOX_XFORM_CLIP = float(np.log(1000.0 / 16.0))


def setup_inputs(seed: int = 0):
    key = jax.random.key(seed)
    k1, k2, k3, k4, k5 = jax.random.split(key, 5)
    class_logit = jax.random.normal(k1, (N, NUM_CLASSES), dtype=jnp.float32)
    box_regression = jax.random.normal(k2, (N, NUM_CLASSES * 4), dtype=jnp.float32)
    xy = jax.random.uniform(k3, (N, 2), dtype=jnp.float32) * (IMG_W - 128.0)
    wh = jax.random.uniform(k4, (N, 2), dtype=jnp.float32) * 120.0 + 8.0
    proposal_boxes = jnp.concatenate([xy, xy + wh], axis=1)
    features = jax.random.normal(k5, (N, FEAT_DIM), dtype=jnp.float32)
    return {"class_logit": class_logit, "box_regression": box_regression,
            "proposal_boxes": proposal_boxes, "features": features}


def _decode(rel_codes, boxes):
    # maskrcnn-benchmark BoxCoder.decode with weights (10,10,5,5)
    TO_REMOVE = 1.0
    widths = boxes[:, 2] - boxes[:, 0] + TO_REMOVE
    heights = boxes[:, 3] - boxes[:, 1] + TO_REMOVE
    ctr_x = boxes[:, 0] + 0.5 * widths
    ctr_y = boxes[:, 1] + 0.5 * heights
    wx, wy, ww, wh = WEIGHTS
    dx = rel_codes[:, 0::4] / wx
    dy = rel_codes[:, 1::4] / wy
    dw = jnp.minimum(rel_codes[:, 2::4] / ww, BBOX_XFORM_CLIP)
    dh = jnp.minimum(rel_codes[:, 3::4] / wh, BBOX_XFORM_CLIP)
    pred_ctr_x = dx * widths[:, None] + ctr_x[:, None]
    pred_ctr_y = dy * heights[:, None] + ctr_y[:, None]
    pred_w = jnp.exp(dw) * widths[:, None]
    pred_h = jnp.exp(dh) * heights[:, None]
    x1 = pred_ctr_x - 0.5 * pred_w
    y1 = pred_ctr_y - 0.5 * pred_h
    x2 = pred_ctr_x + 0.5 * pred_w - 1.0
    y2 = pred_ctr_y + 0.5 * pred_h - 1.0
    return jnp.stack([x1, y1, x2, y2], axis=2)  # [N, C, 4]


def _clip_to_image(boxes):
    x1 = jnp.clip(boxes[..., 0], 0.0, IMG_W - 1.0)
    y1 = jnp.clip(boxes[..., 1], 0.0, IMG_H - 1.0)
    x2 = jnp.clip(boxes[..., 2], 0.0, IMG_W - 1.0)
    y2 = jnp.clip(boxes[..., 3], 0.0, IMG_H - 1.0)
    return jnp.stack([x1, y1, x2, y2], axis=-1)


def _pairwise_iou(b):
    TO_REMOVE = 1.0
    area = (b[:, 2] - b[:, 0] + TO_REMOVE) * (b[:, 3] - b[:, 1] + TO_REMOVE)
    lt = jnp.maximum(b[:, None, :2], b[None, :, :2])
    rb = jnp.minimum(b[:, None, 2:], b[None, :, 2:])
    wh = jnp.maximum(rb - lt + TO_REMOVE, 0.0)
    inter = wh[..., 0] * wh[..., 1]
    return inter / (area[:, None] + area[None, :] - inter)


def _per_class(scores_j, boxes_j, feats):
    # threshold, pre-NMS top-k cap (fixed shapes), then greedy NMS
    masked = jnp.where(scores_j > SCORE_THRESH, scores_j, -1e10)
    topv, topi = jax.lax.top_k(masked, PRE_NMS_TOP)
    b = boxes_j[topi]
    f = feats[topi]
    valid = topv > -1e9
    iou = _pairwise_iou(b)
    keep = valid
    idx = jnp.arange(PRE_NMS_TOP)
    for i in range(PRE_NMS_TOP):
        suppress = (iou[i] > NMS_THRESH) & keep[i]
        keep = keep & jnp.logical_not(suppress & (idx > i))
    return b, topv, keep, f


def reference(class_logit, box_regression, proposal_boxes, features):
    class_prob = jax.nn.softmax(class_logit, axis=-1)
    decoded = _decode(box_regression, proposal_boxes)
    decoded = _clip_to_image(decoded)
    scores_cls = class_prob[:, 1:].T                      # [C-1, N] (skip background)
    boxes_cls = jnp.transpose(decoded[:, 1:, :], (1, 0, 2))  # [C-1, N, 4]
    b, v, keep, f = jax.vmap(_per_class, in_axes=(0, 0, None))(scores_cls, boxes_cls, features)
    flat_scores = jnp.where(keep, v, -1e10).reshape(-1)
    flat_boxes = b.reshape(-1, 4)
    flat_feats = f.reshape(-1, FEAT_DIM)
    labels = jnp.broadcast_to(jnp.arange(1, NUM_CLASSES, dtype=jnp.int64 if jax.config.jax_enable_x64 else jnp.int32)[:, None], (NUM_CLASSES - 1, PRE_NMS_TOP)).reshape(-1)
    fv, fi = jax.lax.top_k(flat_scores, DETECTIONS_PER_IMG)
    final_boxes = flat_boxes[fi]
    final_labels = labels[fi]
    final_feats = flat_feats[fi]
    return final_boxes, fv, final_labels, final_feats

if __name__ == "__main__":
    import jax
    _d = setup_inputs()
    print(jax.jit(kernel)(*tuple(_d.values())))

</pallas_src>

<mosaic_0001>
#map = affine_map<(d0, d1) -> (0, 0)>
#map1 = affine_map<(d0, d1) -> (0)>
module attributes {stable_mosaic.version = 14 : i64} {
  func.func @k(%arg0: i32, %arg1: i32, %arg2: memref<5000x1024xf32, #tpu.memory_space<hbm>>, %arg3: memref<256xi32, #tpu.memory_space<hbm>>, %arg4: memref<256x1024xf32, #tpu.memory_space<hbm>>, %arg5: memref<8xi32, #tpu.memory_space<vmem>>, %arg6: memref<8x1024xf32, #tpu.memory_space<vmem>>, %arg7: memref<!tpu.dma_semaphore, #tpu.memory_space<semaphore_mem>>) attributes {dimension_semantics = [#tpu.dimension_semantics<core_parallel>, #tpu.dimension_semantics<subcore_parallel>], iteration_bounds = array<i64: 2, 16>, scalar_prefetch = 0 : i64, scratch_operands = 3 : i64, tpu.core_type = #tpu.core_type<sc_vector_subcore>, window_params = [{transform_indices = #map}, {transform_indices = #map1}, {transform_indices = #map}]} {
    %mul3A = arith.constant 2 : i32
    %mul3A_0 = arith.muli %arg1, %mul3A : i32
    %add3A = arith.addi %mul3A_0, %arg0 : i32
    %mul3A_1 = arith.constant 8 : i32
    %mul3A_2 = arith.muli %add3A, %mul3A_1 : i32
    "tpu.region"() ({
      %run_scoped3A = tpu.sem_alloc : memref<!tpu.dma_semaphore, #tpu.memory_space<semaphore_mem>>
      %dma_start3A_7 = tpu.memref_slice %arg3[%mul3A_2] : memref<256xi32, #tpu.memory_space<hbm>> -> memref<8xi32, #tpu.memory_space<hbm>>
      %dma_start3A_8 = tpu.memref_slice %arg3[%mul3A_2] : memref<256xi32, #tpu.memory_space<hbm>> -> memref<8xi32, #tpu.memory_space<hbm>>
      tpu.enqueue_dma source(%dma_start3A_8 : memref<8xi32, #tpu.memory_space<hbm>>) target(%arg5 : memref<8xi32, #tpu.memory_space<vmem>>) target_semaphore(%run_scoped3A : memref<!tpu.dma_semaphore, #tpu.memory_space<semaphore_mem>>)
      %dma_wait3A_9 = tpu.memref_slice %arg3[%mul3A_2] : memref<256xi32, #tpu.memory_space<hbm>> -> memref<8xi32, #tpu.memory_space<hbm>>
      %dma_wait3A_10 = tpu.memref_slice %arg3[%mul3A_2] : memref<256xi32, #tpu.memory_space<hbm>> -> memref<8xi32, #tpu.memory_space<hbm>>
      tpu.wait_dma2 semaphore(%run_scoped3A : memref<!tpu.dma_semaphore, #tpu.memory_space<semaphore_mem>>) src(%dma_wait3A_10 : memref<8xi32, #tpu.memory_space<hbm>>) dst(%arg5 : memref<8xi32, #tpu.memory_space<vmem>>)
      tpu.yield
    }) : () -> ()
    %dma_start3A = arith.constant 0 : i32
    %dma_start3A_3 = arith.constant 0 : i32
    %dma_start3A_4 = tpu.memref_slice %arg2[%dma_start3A, %dma_start3A_3] : memref<5000x1024xf32, #tpu.memory_space<hbm>> -> memref<5000x1024xf32, #tpu.memory_space<hbm>>
    tpu.enqueue_indirect_dma source(%dma_start3A_4 : memref<5000x1024xf32, #tpu.memory_space<hbm>>) target(%arg6 : memref<8x1024xf32, #tpu.memory_space<vmem>>) offsets(%arg5 : memref<8xi32, #tpu.memory_space<vmem>>) semaphore(%arg7 : memref<!tpu.dma_semaphore, #tpu.memory_space<semaphore_mem>>)
    %dma_wait3A = arith.constant 0 : i32
    %dma_wait3A_5 = arith.constant 0 : i32
    %dma_wait3A_6 = tpu.memref_slice %arg2[%dma_wait3A, %dma_wait3A_5] : memref<5000x1024xf32, #tpu.memory_space<hbm>> -> memref<5000x1024xf32, #tpu.memory_space<hbm>>
    tpu.wait_indirect_dma semaphore(%arg7 : memref<!tpu.dma_semaphore, #tpu.memory_space<semaphore_mem>>) src(%dma_wait3A_6 : memref<5000x1024xf32, #tpu.memory_space<hbm>>) dst(%arg6 : memref<8x1024xf32, #tpu.memory_space<vmem>>)
    "tpu.region"() ({
      %run_scoped3A = tpu.sem_alloc : memref<!tpu.dma_semaphore, #tpu.memory_space<semaphore_mem>>
      %dma_start3A_7 = arith.constant 0 : i32
      %dma_start3A_8 = tpu.memref_slice %arg4[%mul3A_2, %dma_start3A_7] : memref<256x1024xf32, #tpu.memory_space<hbm>> -> memref<8x1024xf32, #tpu.memory_space<hbm>>
      %dma_start3A_9 = arith.constant 0 : i32
      %dma_start3A_10 = tpu.memref_slice %arg4[%mul3A_2, %dma_start3A_9] : memref<256x1024xf32, #tpu.memory_space<hbm>> -> memref<8x1024xf32, #tpu.memory_space<hbm>>
      tpu.enqueue_dma source(%arg6 : memref<8x1024xf32, #tpu.memory_space<vmem>>) target(%dma_start3A_10 : memref<8x1024xf32, #tpu.memory_space<hbm>>) target_semaphore(%run_scoped3A : memref<!tpu.dma_semaphore, #tpu.memory_space<semaphore_mem>>)
      %dma_wait3A_11 = arith.constant 0 : i32
      %dma_wait3A_12 = tpu.memref_slice %arg4[%mul3A_2, %dma_wait3A_11] : memref<256x1024xf32, #tpu.memory_space<hbm>> -> memref<8x1024xf32, #tpu.memory_space<hbm>>
      %dma_wait3A_13 = arith.constant 0 : i32
      %dma_wait3A_14 = tpu.memref_slice %arg4[%mul3A_2, %dma_wait3A_13] : memref<256x1024xf32, #tpu.memory_space<hbm>> -> memref<8x1024xf32, #tpu.memory_space<hbm>>
      tpu.wait_dma2 semaphore(%run_scoped3A : memref<!tpu.dma_semaphore, #tpu.memory_space<semaphore_mem>>) src(%arg6 : memref<8x1024xf32, #tpu.memory_space<vmem>>) dst(%dma_wait3A_14 : memref<8x1024xf32, #tpu.memory_space<hbm>>)
      tpu.yield
    }) : () -> ()
    return
  }
}

module attributes {stable_mosaic.version = 14 : i64} {
  func.func @_prep_body(%arg0: i32, %arg1: memref<1000x81xf32, #tpu.memory_space<vmem>>, %arg2: memref<4x1000x81xf32, #tpu.memory_space<vmem>>, %arg3: memref<1000x4xf32, #tpu.memory_space<vmem>>, %arg4: memref<1000x81xf32, #tpu.memory_space<vmem>>, %arg5: memref<4x1000x81xf32, #tpu.memory_space<vmem>>) attributes {dimension_semantics = [#tpu.dimension_semantics<arbitrary>], iteration_bounds = array<i64: 5>, scalar_prefetch = 0 : i64, scratch_operands = 0 : i64, tpu.core_type = #tpu.core_type<tc>, window_params = [{transform_indices = @transform_0, window_bounds = array<i64: 1000, 81>}, {transform_indices = @transform_1, window_bounds = array<i64: 4, 1000, 81>}, {transform_indices = @transform_2, window_bounds = array<i64: 1000, 4>}, {transform_indices = @transform_3, window_bounds = array<i64: 1000, 81>}, {transform_indices = @transform_4, window_bounds = array<i64: 4, 1000, 81>}]} {
    %get3A = arith.constant 0 : index
    %get3A_0 = arith.constant 0 : index
    %get3A_1 = vector.load %arg1[%get3A, %get3A_0] : memref<1000x81xf32, #tpu.memory_space<vmem>>, vector<1000x81xf32>
    %reduce_max3A = arith.constant dense<0xFF800000> : vector<1000xf32>
    %reduce_max3A_2 = vector.multi_reduction <maximumf>, %get3A_1, %reduce_max3A [1] : vector<1000x81xf32> to vector<1000xf32>
    %broadcast_in_dim3A = vector.shape_cast %reduce_max3A_2 : vector<1000xf32> to vector<1000x1xf32>
    %sub3A = vector.broadcast %broadcast_in_dim3A : vector<1000x1xf32> to vector<1000x81xf32>
    %sub3A_3 = arith.subf %get3A_1, %sub3A : vector<1000x81xf32>
    %exp3A = math.exp %sub3A_3 : vector<1000x81xf32>
    %reduce_sum3A = arith.constant dense<0.000000e+00> : vector<1000xf32>
    %reduce_sum3A_4 = vector.multi_reduction <add>, %exp3A, %reduce_sum3A [1] : vector<1000x81xf32> to vector<1000xf32>
    %broadcast_in_dim3A_5 = vector.shape_cast %reduce_sum3A_4 : vector<1000xf32> to vector<1000x1xf32>
    %div3A = vector.broadcast %broadcast_in_dim3A_5 : vector<1000x1xf32> to vector<1000x81xf32>
    %div3A_6 = arith.divf %exp3A, %div3A : vector<1000x81xf32>
    %gt3A = arith.constant 5.000000e-02 : f32
    %gt3A_7 = vector.broadcast %gt3A : f32 to vector<1000x81xf32>
    %gt3A_8 = arith.cmpf ogt, %div3A_6, %gt3A_7 : vector<1000x81xf32>
    %jit3A = arith.constant -1.000000e+10 : f32
    %broadcast_in_dim3A_9 = vector.broadcast %jit3A : f32 to vector<1000x81xf32>
    %select_n3A = arith.select %gt3A_8, %div3A_6, %broadcast_in_dim3A_9 : vector<1000x81xi1>, vector<1000x81xf32>
    %swap3A = arith.constant 0 : index
    %swap3A_10 = arith.constant 0 : index
    %swap3A_11 = vector.load %arg4[%swap3A, %swap3A_10] : memref<1000x81xf32, #tpu.memory_space<vmem>>, vector<1000x81xf32>
    tpu.vector_store %arg4[%swap3A, %swap3A_10], %select_n3A {strides = array<i32>} : memref<1000x81xf32, #tpu.memory_space<vmem>>, vector<1000x81xf32>,
    %get3A_12 = arith.constant 0 : index
    %get3A_13 = arith.constant 0 : index
    %get3A_14 = vector.load %arg3[%get3A_12, %get3A_13] : memref<1000x4xf32, #tpu.memory_space<vmem>>, vector<1000x4xf32>
    %slice3A = vector.extract_strided_slice %get3A_14 {offsets = [0, 0], sizes = [1000, 1], strides = [1, 1]} : vector<1000x4xf32> to vector<1000x1xf32>
    %slice3A_15 = vector.extract_strided_slice %get3A_14 {offsets = [0, 1], sizes = [1000, 1], strides = [1, 1]} : vector<1000x4xf32> to vector<1000x1xf32>
    %slice3A_16 = vector.extract_strided_slice %get3A_14 {offsets = [0, 2], sizes = [1000, 1], strides = [1, 1]} : vector<1000x4xf32> to vector<1000x1xf32>
    %slice3A_17 = vector.extract_strided_slice %get3A_14 {offsets = [0, 3], sizes = [1000, 1], strides = [1, 1]} : vector<1000x4xf32> to vector<1000x1xf32>
    %sub3A_18 = arith.subf %slice3A_16, %slice3A : vector<1000x1xf32>
    %add3A = arith.constant 1.000000e+00 : f32
    %add3A_19 = vector.broadcast %add3A : f32 to vector<1000x1xf32>
    %add3A_20 = arith.addf %sub3A_18, %add3A_19 : vector<1000x1xf32>
    %sub3A_21 = arith.subf %slice3A_17, %slice3A_15 : vector<1000x1xf32>
    %add3A_22 = arith.constant 1.000000e+00 : f32
    %add3A_23 = vector.broadcast %add3A_22 : f32 to vector<1000x1xf32>
    %add3A_24 = arith.addf %sub3A_21, %add3A_23 : vector<1000x1xf32>
    %mul3A = arith.constant 5.000000e-01 : f32
    %mul3A_25 = vector.broadcast %mul3A : f32 to vector<1000x1xf32>
    %mul3A_26 = arith.mulf %mul3A_25, %add3A_20 : vector<1000x1xf32>
    %add3A_27 = arith.addf %slice3A, %mul3A_26 : vector<1000x1xf32>
    %mul3A_28 = arith.constant 5.000000e-01 : f32
    %mul3A_29 = vector.broadcast %mul3A_28 : f32 to vector<1000x1xf32>
    %mul3A_30 = arith.mulf %mul3A_29, %add3A_24 : vector<1000x1xf32>
    %add3A_31 = arith.addf %slice3A_15, %mul3A_30 : vector<1000x1xf32>
    %get3A_32 = arith.constant 0 : index
    %get3A_33 = arith.constant 0 : index
    %get3A_34 = arith.constant 0 : index
    %get3A_35 = vector.load %arg2[%get3A_32, %get3A_33, %get3A_34] : memref<4x1000x81xf32, #tpu.memory_space<vmem>>, vector<1x1000x81xf32>
    %get3A_36 = vector.shape_cast %get3A_35 : vector<1x1000x81xf32> to vector<1000x81xf32>
    %div3A_37 = arith.constant 1.000000e+01 : f32
    %div3A_38 = vector.broadcast %div3A_37 : f32 to vector<1000x81xf32>
    %div3A_39 = arith.divf %get3A_36, %div3A_38 : vector<1000x81xf32>
    %get3A_40 = arith.constant 1 : index
    %get3A_41 = arith.constant 0 : index
    %get3A_42 = arith.constant 0 : index
    %get3A_43 = vector.load %arg2[%get3A_40, %get3A_41, %get3A_42] : memref<4x1000x81xf32, #tpu.memory_space<vmem>>, vector<1x1000x81xf32>
    %get3A_44 = vector.shape_cast %get3A_43 : vector<1x1000x81xf32> to vector<1000x81xf32>
    %div3A_45 = arith.constant 1.000000e+01 : f32
    %div3A_46 = vector.broadcast %div3A_45 : f32 to vector<1000x81xf32>
    %div3A_47 = arith.divf %get3A_44, %div3A_46 : vector<1000x81xf32>
    %get3A_48 = arith.constant 2 : index
    %get3A_49 = arith.constant 0 : index
    %get3A_50 = arith.constant 0 : index
    %get3A_51 = vector.load %arg2[%get3A_48, %get3A_49, %get3A_50] : memref<4x1000x81xf32, #tpu.memory_space<vmem>>, vector<1x1000x81xf32>
    %get3A_52 = vector.shape_cast %get3A_51 : vector<1x1000x81xf32> to vector<1000x81xf32>
    %div3A_53 = arith.constant 5.000000e+00 : f32
    %div3A_54 = vector.broadcast %div3A_53 : f32 to vector<1000x81xf32>
    %div3A_55 = arith.divf %get3A_52, %div3A_54 : vector<1000x81xf32>
    %min3A = arith.constant 4.13516665 : f32
    %min3A_56 = vector.broadcast %min3A : f32 to vector<1000x81xf32>
    %min3A_57 = arith.minimumf %div3A_55, %min3A_56 : vector<1000x81xf32>
    %get3A_58 = arith.constant 3 : index
    %get3A_59 = arith.constant 0 : index
    %get3A_60 = arith.constant 0 : index
    %get3A_61 = vector.load %arg2[%get3A_58, %get3A_59, %get3A_60] : memref<4x1000x81xf32, #tpu.memory_space<vmem>>, vector<1x1000x81xf32>
    %get3A_62 = vector.shape_cast %get3A_61 : vector<1x1000x81xf32> to vector<1000x81xf32>
    %div3A_63 = arith.constant 5.000000e+00 : f32
    %div3A_64 = vector.broadcast %div3A_63 : f32 to vector<1000x81xf32>
    %div3A_65 = arith.divf %get3A_62, %div3A_64 : vector<1000x81xf32>
    %min3A_66 = arith.constant 4.13516665 : f32
    %min3A_67 = vector.broadcast %min3A_66 : f32 to vector<1000x81xf32>
    %min3A_68 = arith.minimumf %div3A_65, %min3A_67 : vector<1000x81xf32>
    %mul3A_69 = vector.broadcast %add3A_20 : vector<1000x1xf32> to vector<1000x81xf32>
    %mul3A_70 = arith.mulf %div3A_39, %mul3A_69 : vector<1000x81xf32>
    %add3A_71 = vector.broadcast %add3A_27 : vector<1000x1xf32> to vector<1000x81xf32>
    %add3A_72 = arith.addf %mul3A_70, %add3A_71 : vector<1000x81xf32>
    %mul3A_73 = vector.broadcast %add3A_24 : vector<1000x1xf32> to vector<1000x81xf32>
    %mul3A_74 = arith.mulf %div3A_47, %mul3A_73 : vector<1000x81xf32>
    %add3A_75 = vector.broadcast %add3A_31 : vector<1000x1xf32> to vector<1000x81xf32>
    %add3A_76 = arith.addf %mul3A_74, %add3A_75 : vector<1000x81xf32>
    %exp3A_77 = math.exp %min3A_57 : vector<1000x81xf32>
    %mul3A_78 = vector.broadcast %add3A_20 : vector<1000x1xf32> to vector<1000x81xf32>
    %mul3A_79 = arith.mulf %exp3A_77, %mul3A_78 : vector<1000x81xf32>
    %exp3A_80 = math.exp %min3A_68 : vector<1000x81xf32>
    %mul3A_81 = vector.broadcast %add3A_24 : vector<1000x1xf32> to vector<1000x81xf32>
    %mul3A_82 = arith.mulf %exp3A_80, %mul3A_81 : vector<1000x81xf32>
    %mul3A_83 = arith.constant 5.000000e-01 : f32
    %mul3A_84 = vector.broadcast %mul3A_83 : f32 to vector<1000x81xf32>
    %mul3A_85 = arith.mulf %mul3A_84, %mul3A_79 : vector<1000x81xf32>
    %sub3A_86 = arith.subf %add3A_72, %mul3A_85 : vector<1000x81xf32>
    %mul3A_87 = arith.constant 5.000000e-01 : f32
    %mul3A_88 = vector.broadcast %mul3A_87 : f32 to vector<1000x81xf32>
    %mul3A_89 = arith.mulf %mul3A_88, %mul3A_82 : vector<1000x81xf32>
    %sub3A_90 = arith.subf %add3A_76, %mul3A_89 : vector<1000x81xf32>
    %mul3A_91 = arith.constant 5.000000e-01 : f32
    %mul3A_92 = vector.broadcast %mul3A_91 : f32 to vector<1000x81xf32>
    %mul3A_93 = arith.mulf %mul3A_92, %mul3A_79 : vector<1000x81xf32>
    %add3A_94 = arith.addf %add3A_72, %mul3A_93 : vector<1000x81xf32>
    %sub3A_95 = arith.constant 1.000000e+00 : f32
    %sub3A_96 = vector.broadcast %sub3A_95 : f32 to vector<1000x81xf32>
    %sub3A_97 = arith.subf %add3A_94, %sub3A_96 : vector<1000x81xf32>
    %mul3A_98 = arith.constant 5.000000e-01 : f32
    %mul3A_99 = vector.broadcast %mul3A_98 : f32 to vector<1000x81xf32>
    %mul3A_100 = arith.mulf %mul3A_99, %mul3A_82 : vector<1000x81xf32>
    %add3A_101 = arith.addf %add3A_76, %mul3A_100 : vector<1000x81xf32>
    %sub3A_102 = arith.constant 1.000000e+00 : f32
    %sub3A_103 = vector.broadcast %sub3A_102 : f32 to vector<1000x81xf32>
    %sub3A_104 = arith.subf %add3A_101, %sub3A_103 : vector<1000x81xf32>
    %jit3A_105 = arith.constant 0.000000e+00 : f32
    %jit3A_106 = arith.constant 1.023000e+03 : f32
    %max3A = vector.broadcast %jit3A_105 : f32 to vector<1000x81xf32>
    %max3A_107 = arith.maximumf %max3A, %sub3A_86 : vector<1000x81xf32>
    %min3A_108 = vector.broadcast %jit3A_106 : f32 to vector<1000x81xf32>
    %min3A_109 = arith.minimumf %min3A_108, %max3A_107 : vector<1000x81xf32>
    %swap3A_110 = arith.constant 0 : index
    %swap3A_111 = arith.constant 0 : index
    %swap3A_112 = arith.constant 0 : index
    %swap3A_113 = vector.load %arg5[%swap3A_110, %swap3A_111, %swap3A_112] : memref<4x1000x81xf32, #tpu.memory_space<vmem>>, vector<1x1000x81xf32>
    %swap3A_114 = vector.shape_cast %swap3A_113 : vector<1x1000x81xf32> to vector<1000x81xf32>
    %swap3A_115 = vector.shape_cast %min3A_109 : vector<1000x81xf32> to vector<1x1000x81xf32>
    tpu.vector_store %arg5[%swap3A_110, %swap3A_111, %swap3A_112], %swap3A_115 {strides = array<i32>} : memref<4x1000x81xf32, #tpu.memory_space<vmem>>, vector<1x1000x81xf32>,
    %jit3A_116 = arith.constant 0.000000e+00 : f32
    %jit3A_117 = arith.constant 1.023000e+03 : f32
    %max3A_118 = vector.broadcast %jit3A_116 : f32 to vector<1000x81xf32>
    %max3A_119 = arith.maximumf %max3A_118, %sub3A_90 : vector<1000x81xf32>
    %min3A_120 = vector.broadcast %jit3A_117 : f32 to vector<1000x81xf32>
    %min3A_121 = arith.minimumf %min3A_120, %max3A_119 : vector<1000x81xf32>
    %swap3A_122 = arith.constant 1 : index
    %swap3A_123 = arith.constant 0 : index
    %swap3A_124 = arith.constant 0 : index
    %swap3A_125 = vector.load %arg5[%swap3A_122, %swap3A_123, %swap3A_124] : memref<4x1000x81xf32, #tpu.memory_space<vmem>>, vector<1x1000x81xf32>
    %swap3A_126 = vector.shape_cast %swap3A_125 : vector<1x1000x81xf32> to vector<1000x81xf32>
    %swap3A_127 = vector.shape_cast %min3A_121 : vector<1000x81xf32> to vector<1x1000x81xf32>
    tpu.vector_store %arg5[%swap3A_122, %swap3A_123, %swap3A_124], %swap3A_127 {strides = array<i32>} : memref<4x1000x81xf32, #tpu.memory_space<vmem>>, vector<1x1000x81xf32>,
    %jit3A_128 = arith.constant 0.000000e+00 : f32
    %jit3A_129 = arith.constant 1.023000e+03 : f32
    %max3A_130 = vector.broadcast %jit3A_128 : f32 to vector<1000x81xf32>
    %max3A_131 = arith.maximumf %max3A_130, %sub3A_97 : vector<1000x81xf32>
    %min3A_132 = vector.broadcast %jit3A_129 : f32 to vector<1000x81xf32>
    %min3A_133 = arith.minimumf %min3A_132, %max3A_131 : vector<1000x81xf32>
    %swap3A_134 = arith.constant 2 : index
    %swap3A_135 = arith.constant 0 : index
    %swap3A_136 = arith.constant 0 : index
    %swap3A_137 = vector.load %arg5[%swap3A_134, %swap3A_135, %swap3A_136] : memref<4x1000x81xf32, #tpu.memory_space<vmem>>, vector<1x1000x81xf32>
    %swap3A_138 = vector.shape_cast %swap3A_137 : vector<1x1000x81xf32> to vector<1000x81xf32>
    %swap3A_139 = vector.shape_cast %min3A_133 : vector<1000x81xf32> to vector<1x1000x81xf32>
    tpu.vector_store %arg5[%swap3A_134, %swap3A_135, %swap3A_136], %swap3A_139 {strides = array<i32>} : memref<4x1000x81xf32, #tpu.memory_space<vmem>>, vector<1x1000x81xf32>,
    %jit3A_140 = arith.constant 0.000000e+00 : f32
    %jit3A_141 = arith.constant 1.023000e+03 : f32
    %max3A_142 = vector.broadcast %jit3A_140 : f32 to vector<1000x81xf32>
    %max3A_143 = arith.maximumf %max3A_142, %sub3A_104 : vector<1000x81xf32>
    %min3A_144 = vector.broadcast %jit3A_141 : f32 to vector<1000x81xf32>
    %min3A_145 = arith.minimumf %min3A_144, %max3A_143 : vector<1000x81xf32>
    %swap3A_146 = arith.constant 3 : index
    %swap3A_147 = arith.constant 0 : index
    %swap3A_148 = arith.constant 0 : index
    %swap3A_149 = vector.load %arg5[%swap3A_146, %swap3A_147, %swap3A_148] : memref<4x1000x81xf32, #tpu.memory_space<vmem>>, vector<1x1000x81xf32>
    %swap3A_150 = vector.shape_cast %swap3A_149 : vector<1x1000x81xf32> to vector<1000x81xf32>
    %swap3A_151 = vector.shape_cast %min3A_145 : vector<1000x81xf32> to vector<1x1000x81xf32>
    tpu.vector_store %arg5[%swap3A_146, %swap3A_147, %swap3A_148], %swap3A_151 {strides = array<i32>} : memref<4x1000x81xf32, #tpu.memory_space<vmem>>, vector<1x1000x81xf32>,
    return
  }
  func.func @transform_0(%arg0: i32) -> (i32, i32) {
    %c0_i32 = arith.constant 0 : i32
    %c0_i32_0 = arith.constant 0 : i32
    return %arg0, %c0_i32 : i32, i32
  }
  func.func @transform_1(%arg0: i32) -> (i32, i32, i32) {
    %c0_i32 = arith.constant 0 : i32
    %c0_i32_0 = arith.constant 0 : i32
    %c0_i32_1 = arith.constant 0 : i32
    return %c0_i32, %arg0, %c0_i32_0 : i32, i32, i32
  }
  func.func @transform_2(%arg0: i32) -> (i32, i32) {
    %c0_i32 = arith.constant 0 : i32
    %c0_i32_0 = arith.constant 0 : i32
    return %arg0, %c0_i32 : i32, i32
  }
  func.func @transform_3(%arg0: i32) -> (i32, i32) {
    %c0_i32 = arith.constant 0 : i32
    %c0_i32_0 = arith.constant 0 : i32
    return %arg0, %c0_i32 : i32, i32
  }
  func.func @transform_4(%arg0: i32) -> (i32, i32, i32) {
    %c0_i32 = arith.constant 0 : i32
    %c0_i32_0 = arith.constant 0 : i32
    %c0_i32_1 = arith.constant 0 : i32
    return %c0_i32, %arg0, %c0_i32_0 : i32, i32, i32
  }
}

module attributes {stable_mosaic.version = 14 : i64} {
  func.func @_topk_body(%arg0: memref<80x5120xf32, #tpu.memory_space<vmem>>, %arg1: memref<80x200xf32, #tpu.memory_space<vmem>>, %arg2: memref<80x200xi32, #tpu.memory_space<vmem>>, %arg3: memref<80x200xi32, #tpu.memory_space<vmem>>, %arg4: memref<80x5120xf32, #tpu.memory_space<vmem>>) attributes {dimension_semantics = [], scalar_prefetch = 0 : i64, scratch_operands = 1 : i64, tpu.core_type = #tpu.core_type<tc>} {
    %get3A = arith.constant 0 : index
    %get3A_0 = arith.constant 0 : index
    %get3A_1 = vector.load %arg0[%get3A, %get3A_0] : memref<80x5120xf32, #tpu.memory_space<vmem>>, vector<80x5120xf32>
    %swap3A = arith.constant 0 : index
    %swap3A_2 = arith.constant 0 : index
    %swap3A_3 = vector.load %arg4[%swap3A, %swap3A_2] : memref<80x5120xf32, #tpu.memory_space<vmem>>, vector<80x5120xf32>
    tpu.vector_store %arg4[%swap3A, %swap3A_2], %get3A_1 {strides = array<i32>} : memref<80x5120xf32, #tpu.memory_space<vmem>>, vector<80x5120xf32>,
    %iota3A = tpu.iota {dimensions = array<i32: 1>} : vector<80x5120xi32>
    %iota3A_4 = tpu.iota {dimensions = array<i32: 1>} : vector<80x200xi32>
    %broadcast_in_dim3A = arith.constant -2.000000e+10 : f32
    %broadcast_in_dim3A_5 = vector.broadcast %broadcast_in_dim3A : f32 to vector<80x200xf32>
    %broadcast_in_dim3A_6 = arith.constant 0 : i32
    %broadcast_in_dim3A_7 = vector.broadcast %broadcast_in_dim3A_6 : i32 to vector<80x200xi32>
    %scan3A = arith.constant 0 : i32
    %scan3A_8 = arith.constant 200 : i32
    %scan3A_9 = arith.addi %scan3A, %scan3A_8 : i32
    %scan3A_10 = arith.constant 1 : i32
    %scan3A_11:2 = scf.for %scan3A_28 = %scan3A to %scan3A_9 step %scan3A_10 iter_args(%scan3A_29 = %broadcast_in_dim3A_5, %scan3A_30 = %broadcast_in_dim3A_7) -> (vector<80x200xf32>, vector<80x200xi32>)  : i32 {
      %get3A_31 = arith.constant 0 : index
      %get3A_32 = arith.constant 0 : index
      %get3A_33 = vector.load %arg4[%get3A_31, %get3A_32] : memref<80x5120xf32, #tpu.memory_space<vmem>>, vector<80x5120xf32>
      %reduce_max3A = arith.constant dense<0xFF800000> : vector<80xf32>
      %reduce_max3A_34 = vector.multi_reduction <maximumf>, %get3A_33, %reduce_max3A [1] : vector<80x5120xf32> to vector<80xf32>
      %broadcast_in_dim3A_35 = vector.shape_cast %reduce_max3A_34 : vector<80xf32> to vector<80x1xf32>
      %eq3A = vector.broadcast %broadcast_in_dim3A_35 : vector<80x1xf32> to vector<80x5120xf32>
      %eq3A_36 = arith.cmpf oeq, %get3A_33, %eq3A : vector<80x5120xf32>
      %jit3A = arith.constant 1073741824 : i32
      %broadcast_in_dim3A_37 = vector.broadcast %jit3A : i32 to vector<80x5120xi32>
      %select_n3A = arith.select %eq3A_36, %iota3A, %broadcast_in_dim3A_37 : vector<80x5120xi1>, vector<80x5120xi32>
      %reduce_min3A = arith.constant dense<2147483647> : vector<80xi32>
      %reduce_min3A_38 = vector.multi_reduction <minsi>, %select_n3A, %reduce_min3A [1] : vector<80x5120xi32> to vector<80xi32>
      %broadcast_in_dim3A_39 = vector.shape_cast %reduce_min3A_38 : vector<80xi32> to vector<80x1xi32>
      %eq3A_40 = vector.broadcast %broadcast_in_dim3A_39 : vector<80x1xi32> to vector<80x5120xi32>
      %eq3A_41 = arith.cmpi eq, %iota3A, %eq3A_40 : vector<80x5120xi32>
      %jit3A_42 = arith.constant -2.000000e+10 : f32
      %broadcast_in_dim3A_43 = vector.broadcast %jit3A_42 : f32 to vector<80x5120xf32>
      %select_n3A_44 = arith.select %eq3A_41, %broadcast_in_dim3A_43, %get3A_33 : vector<80x5120xi1>, vector<80x5120xf32>
      %swap3A_45 = arith.constant 0 : index
      %swap3A_46 = arith.constant 0 : index
      %swap3A_47 = vector.load %arg4[%swap3A_45, %swap3A_46] : memref<80x5120xf32, #tpu.memory_space<vmem>>, vector<80x5120xf32>
      tpu.vector_store %arg4[%swap3A_45, %swap3A_46], %select_n3A_44 {strides = array<i32>} : memref<80x5120xf32, #tpu.memory_space<vmem>>, vector<80x5120xf32>,
      %eq3A_48 = vector.broadcast %scan3A_28 : i32 to vector<80x200xi32>
      %eq3A_49 = arith.cmpi eq, %iota3A_4, %eq3A_48 : vector<80x200xi32>
      %broadcast_in_dim3A_50 = vector.shape_cast %broadcast_in_dim3A_35 : vector<80x1xf32> to vector<80x1xf32>
      %broadcast_in_dim3A_51 = vector.broadcast %broadcast_in_dim3A_50 : vector<80x1xf32> to vector<80x200xf32>
      %select_n3A_52 = arith.select %eq3A_49, %broadcast_in_dim3A_51, %scan3A_29 : vector<80x200xi1>, vector<80x200xf32>
      %eq3A_53 = vector.broadcast %scan3A_28 : i32 to vector<80x200xi32>
      %eq3A_54 = arith.cmpi eq, %iota3A_4, %eq3A_53 : vector<80x200xi32>
      %broadcast_in_dim3A_55 = vector.shape_cast %broadcast_in_dim3A_39 : vector<80x1xi32> to vector<80x1xi32>
      %broadcast_in_dim3A_56 = vector.broadcast %broadcast_in_dim3A_55 : vector<80x1xi32> to vector<80x200xi32>
      %select_n3A_57 = arith.select %eq3A_54, %broadcast_in_dim3A_56, %scan3A_30 : vector<80x200xi1>, vector<80x200xi32>
      scf.yield %select_n3A_52, %select_n3A_57 : vector<80x200xf32>, vector<80x200xi32>
    }
    %scan3A_12 = arith.constant 200 : i32
    %swap3A_13 = arith.constant 0 : index
    %swap3A_14 = arith.constant 0 : index
    %swap3A_15 = vector.load %arg1[%swap3A_13, %swap3A_14] : memref<80x200xf32, #tpu.memory_space<vmem>>, vector<80x200xf32>
    tpu.vector_store %arg1[%swap3A_13, %swap3A_14], %scan3A_11#0 {strides = array<i32>} : memref<80x200xf32, #tpu.memory_space<vmem>>, vector<80x200xf32>,
    %swap3A_16 = arith.constant 0 : index
    %swap3A_17 = arith.constant 0 : index
    %swap3A_18 = vector.load %arg2[%swap3A_16, %swap3A_17] : memref<80x200xi32, #tpu.memory_space<vmem>>, vector<80x200xi32>
    tpu.vector_store %arg2[%swap3A_16, %swap3A_17], %scan3A_11#1 {strides = array<i32>} : memref<80x200xi32, #tpu.memory_space<vmem>>, vector<80x200xi32>,
    %iota3A_19 = tpu.iota {dimensions = array<i32: 0>} : vector<80x200xi32>
    %add3A = arith.constant 1 : i32
    %add3A_20 = vector.broadcast %add3A : i32 to vector<80x200xi32>
    %add3A_21 = arith.addi %iota3A_19, %add3A_20 : vector<80x200xi32>
    %mul3A = arith.constant 81 : i32
    %mul3A_22 = vector.broadcast %mul3A : i32 to vector<80x200xi32>
    %mul3A_23 = arith.muli %scan3A_11#1, %mul3A_22 : vector<80x200xi32>
    %add3A_24 = arith.addi %mul3A_23, %add3A_21 : vector<80x200xi32>
    %swap3A_25 = arith.constant 0 : index
    %swap3A_26 = arith.constant 0 : index
    %swap3A_27 = vector.load %arg3[%swap3A_25, %swap3A_26] : memref<80x200xi32, #tpu.memory_space<vmem>>, vector<80x200xi32>
    tpu.vector_store %arg3[%swap3A_25, %swap3A_26], %add3A_24 {strides = array<i32>} : memref<80x200xi32, #tpu.memory_space<vmem>>, vector<80x200xi32>,
    return
  }
}

module attributes {stable_mosaic.version = 14 : i64} {
  func.func @_boxgather_body(%arg0: i32, %arg1: memref<1x5000x4xf32, #tpu.memory_space<vmem>>, %arg2: memref<1x200x1xi32, #tpu.memory_space<vmem>>, %arg3: memref<1x200x4xf32, #tpu.memory_space<vmem>>) attributes {dimension_semantics = [#tpu.dimension_semantics<arbitrary>], iteration_bounds = array<i64: 80>, scalar_prefetch = 0 : i64, scratch_operands = 0 : i64, tpu.core_type = #tpu.core_type<tc>, window_params = [{transform_indices = @transform_0, window_bounds = array<i64: 1, 5000, 4>}, {transform_indices = @transform_1, window_bounds = array<i64: 1, 200, 1>}, {transform_indices = @transform_2, window_bounds = array<i64: 1, 200, 4>}]} {
    %get3A = arith.constant 0 : index
    %get3A_0 = arith.constant 0 : index
    %get3A_1 = arith.constant 0 : index
    %get3A_2 = vector.load %arg2[%get3A, %get3A_0, %get3A_1] : memref<1x200x1xi32, #tpu.memory_space<vmem>>, vector<1x200x1xi32>
    %get3A_3 = vector.shape_cast %get3A_2 : vector<1x200x1xi32> to vector<200x1xi32>
    %iota3A = tpu.iota {dimensions = array<i32: 1>} : vector<200x5000xi32>
    %eq3A = vector.broadcast %get3A_3 : vector<200x1xi32> to vector<200x5000xi32>
    %eq3A_4 = arith.cmpi eq, %iota3A, %eq3A : vector<200x5000xi32>
    %jit3A = arith.constant 1.000000e+00 : f32
    %jit3A_5 = arith.constant 0.000000e+00 : f32
    %broadcast_in_dim3A = vector.broadcast %jit3A : f32 to vector<200x5000xf32>
    %broadcast_in_dim3A_6 = vector.broadcast %jit3A_5 : f32 to vector<200x5000xf32>
    %select_n3A = arith.select %eq3A_4, %broadcast_in_dim3A, %broadcast_in_dim3A_6 : vector<200x5000xi1>, vector<200x5000xf32>
    %get3A_7 = arith.constant 0 : index
    %get3A_8 = arith.constant 0 : index
    %get3A_9 = arith.constant 0 : index
    %get3A_10 = vector.load %arg1[%get3A_7, %get3A_8, %get3A_9] : memref<1x5000x4xf32, #tpu.memory_space<vmem>>, vector<1x5000x4xf32>
    %get3A_11 = vector.shape_cast %get3A_10 : vector<1x5000x4xf32> to vector<5000x4xf32>
    %dot_general3A = arith.constant dense<0.000000e+00> : vector<200x4xf32>
    %dot_general3A_12 = tpu.matmul %select_n3A, %get3A_11, %dot_general3A {dimension_numbers = #tpu.dot_dimension_numbers<[1], [0], [0], [1], [0, 0, 1, 1], [], []>, transpose_lhs_hint = false} : vector<200x5000xf32>, vector<5000x4xf32>, vector<200x4xf32> -> vector<200x4xf32>
    %swap3A = arith.constant 0 : index
    %swap3A_13 = arith.constant 0 : index
    %swap3A_14 = arith.constant 0 : index
    %swap3A_15 = vector.load %arg3[%swap3A, %swap3A_13, %swap3A_14] : memref<1x200x4xf32, #tpu.memory_space<vmem>>, vector<1x200x4xf32>
    %swap3A_16 = vector.shape_cast %swap3A_15 : vector<1x200x4xf32> to vector<200x4xf32>
    %swap3A_17 = vector.shape_cast %dot_general3A_12 : vector<200x4xf32> to vector<1x200x4xf32>
    tpu.vector_store %arg3[%swap3A, %swap3A_13, %swap3A_14], %swap3A_17 {strides = array<i32>} : memref<1x200x4xf32, #tpu.memory_space<vmem>>, vector<1x200x4xf32>,
    return
  }
  func.func @transform_0(%arg0: i32) -> (i32, i32, i32) {
    %add3A = arith.constant 1 : i32
    %add3A_0 = arith.addi %arg0, %add3A : i32
    %c0_i32 = arith.constant 0 : i32
    %c0_i32_1 = arith.constant 0 : i32
    %c0_i32_2 = arith.constant 0 : i32
    return %add3A_0, %c0_i32, %c0_i32_1 : i32, i32, i32
  }
  func.func @transform_1(%arg0: i32) -> (i32, i32, i32) {
    %c0_i32 = arith.constant 0 : i32
    %c0_i32_0 = arith.constant 0 : i32
    %c0_i32_1 = arith.constant 0 : i32
    return %arg0, %c0_i32, %c0_i32_0 : i32, i32, i32
  }
  func.func @transform_2(%arg0: i32) -> (i32, i32, i32) {
    %c0_i32 = arith.constant 0 : i32
    %c0_i32_0 = arith.constant 0 : i32
    %c0_i32_1 = arith.constant 0 : i32
    return %arg0, %c0_i32, %c0_i32_0 : i32, i32, i32
  }
}

module attributes {stable_mosaic.version = 14 : i64} {
  func.func @_nms_body(%arg0: memref<4x200x80xf32, #tpu.memory_space<vmem>>, %arg1: memref<200x80xf32, #tpu.memory_space<vmem>>, %arg2: memref<200x80xi32, #tpu.memory_space<vmem>>, %arg3: memref<4x1x128xf32, #tpu.memory_space<vmem>>, %arg4: memref<1x128xf32, #tpu.memory_space<vmem>>, %arg5: memref<1x128xi32, #tpu.memory_space<vmem>>, %arg6: memref<1x128xi32, #tpu.memory_space<vmem>>, %arg7: memref<200x80xf32, #tpu.memory_space<vmem>>, %arg8: memref<200x80xi32, #tpu.memory_space<vmem>>) attributes {dimension_semantics = [], scalar_prefetch = 0 : i64, scratch_operands = 2 : i64, tpu.core_type = #tpu.core_type<tc>} {
    %get3A = arith.constant 0 : index
    %get3A_0 = arith.constant 0 : index
    %get3A_1 = arith.constant 0 : index
    %get3A_2 = vector.load %arg0[%get3A, %get3A_0, %get3A_1] : memref<4x200x80xf32, #tpu.memory_space<vmem>>, vector<1x200x80xf32>
    %get3A_3 = vector.shape_cast %get3A_2 : vector<1x200x80xf32> to vector<200x80xf32>
    %get3A_4 = arith.constant 1 : index
    %get3A_5 = arith.constant 0 : index
    %get3A_6 = arith.constant 0 : index
    %get3A_7 = vector.load %arg0[%get3A_4, %get3A_5, %get3A_6] : memref<4x200x80xf32, #tpu.memory_space<vmem>>, vector<1x200x80xf32>
    %get3A_8 = vector.shape_cast %get3A_7 : vector<1x200x80xf32> to vector<200x80xf32>
    %get3A_9 = arith.constant 2 : index
    %get3A_10 = arith.constant 0 : index
    %get3A_11 = arith.constant 0 : index
    %get3A_12 = vector.load %arg0[%get3A_9, %get3A_10, %get3A_11] : memref<4x200x80xf32, #tpu.memory_space<vmem>>, vector<1x200x80xf32>
    %get3A_13 = vector.shape_cast %get3A_12 : vector<1x200x80xf32> to vector<200x80xf32>
    %get3A_14 = arith.constant 3 : index
    %get3A_15 = arith.constant 0 : index
    %get3A_16 = arith.constant 0 : index
    %get3A_17 = vector.load %arg0[%get3A_14, %get3A_15, %get3A_16] : memref<4x200x80xf32, #tpu.memory_space<vmem>>, vector<1x200x80xf32>
    %get3A_18 = vector.shape_cast %get3A_17 : vector<1x200x80xf32> to vector<200x80xf32>
    %get3A_19 = arith.constant 0 : index
    %get3A_20 = arith.constant 0 : index
    %get3A_21 = vector.load %arg1[%get3A_19, %get3A_20] : memref<200x80xf32, #tpu.memory_space<vmem>>, vector<200x80xf32>
    %sub3A = arith.subf %get3A_13, %get3A_3 : vector<200x80xf32>
    %add3A = arith.constant 1.000000e+00 : f32
    %add3A_22 = vector.broadcast %add3A : f32 to vector<200x80xf32>
    %add3A_23 = arith.addf %sub3A, %add3A_22 : vector<200x80xf32>
    %sub3A_24 = arith.subf %get3A_18, %get3A_8 : vector<200x80xf32>
    %add3A_25 = arith.constant 1.000000e+00 : f32
    %add3A_26 = vector.broadcast %add3A_25 : f32 to vector<200x80xf32>
    %add3A_27 = arith.addf %sub3A_24, %add3A_26 : vector<200x80xf32>
    %mul3A = arith.mulf %add3A_23, %add3A_27 : vector<200x80xf32>
    %swap3A = arith.constant 0 : index
    %swap3A_28 = arith.constant 0 : index
    %swap3A_29 = vector.load %arg7[%swap3A, %swap3A_28] : memref<200x80xf32, #tpu.memory_space<vmem>>, vector<200x80xf32>
    tpu.vector_store %arg7[%swap3A, %swap3A_28], %mul3A {strides = array<i32>} : memref<200x80xf32, #tpu.memory_space<vmem>>, vector<200x80xf32>,
    %gt3A = arith.constant -1.000000e+09 : f32
    %gt3A_30 = vector.broadcast %gt3A : f32 to vector<200x80xf32>
    %gt3A_31 = arith.cmpf ogt, %get3A_21, %gt3A_30 : vector<200x80xf32>
    %convert_element_type3A = arith.extui %gt3A_31 : vector<200x80xi1> to vector<200x80xi32>
    %swap3A_32 = arith.constant 0 : index
    %swap3A_33 = arith.constant 0 : index
    %swap3A_34 = vector.load %arg8[%swap3A_32, %swap3A_33] : memref<200x80xi32, #tpu.memory_space<vmem>>, vector<200x80xi32>
    tpu.vector_store %arg8[%swap3A_32, %swap3A_33], %convert_element_type3A {strides = array<i32>} : memref<200x80xi32, #tpu.memory_space<vmem>>, vector<200x80xi32>,
    %get3A_35 = arith.constant 0 : index
    %get3A_36 = arith.constant 0 : index
    %get3A_37 = vector.load %arg7[%get3A_35, %get3A_36] : memref<200x80xf32, #tpu.memory_space<vmem>>, vector<200x80xf32>
    %iota3A = tpu.iota {dimensions = array<i32: 0>} : vector<200x80xi32>
    %scan3A = arith.constant 0 : i32
    %scan3A_38 = arith.constant 200 : i32
    %scan3A_39 = arith.addi %scan3A, %scan3A_38 : i32
    %scan3A_40 = arith.constant 1 : i32
    scf.for %scan3A_96 = %scan3A to %scan3A_39 step %scan3A_40  : i32 {
      %get3A_97 = arith.constant 0 : index
      %get3A_98 = arith.index_cast %scan3A_96 : i32 to index
      %get3A_99 = arith.constant 0 : index
      %get3A_100 = vector.load %arg0[%get3A_97, %get3A_98, %get3A_99] : memref<4x200x80xf32, #tpu.memory_space<vmem>>, vector<1x1x80xf32>
      %get3A_101 = vector.shape_cast %get3A_100 : vector<1x1x80xf32> to vector<1x80xf32>
      %get3A_102 = arith.constant 1 : index
      %get3A_103 = arith.index_cast %scan3A_96 : i32 to index
      %get3A_104 = arith.constant 0 : index
      %get3A_105 = vector.load %arg0[%get3A_102, %get3A_103, %get3A_104] : memref<4x200x80xf32, #tpu.memory_space<vmem>>, vector<1x1x80xf32>
      %get3A_106 = vector.shape_cast %get3A_105 : vector<1x1x80xf32> to vector<1x80xf32>
      %get3A_107 = arith.constant 2 : index
      %get3A_108 = arith.index_cast %scan3A_96 : i32 to index
      %get3A_109 = arith.constant 0 : index
      %get3A_110 = vector.load %arg0[%get3A_107, %get3A_108, %get3A_109] : memref<4x200x80xf32, #tpu.memory_space<vmem>>, vector<1x1x80xf32>
      %get3A_111 = vector.shape_cast %get3A_110 : vector<1x1x80xf32> to vector<1x80xf32>
      %get3A_112 = arith.constant 3 : index
      %get3A_113 = arith.index_cast %scan3A_96 : i32 to index
      %get3A_114 = arith.constant 0 : index
      %get3A_115 = vector.load %arg0[%get3A_112, %get3A_113, %get3A_114] : memref<4x200x80xf32, #tpu.memory_space<vmem>>, vector<1x1x80xf32>
      %get3A_116 = vector.shape_cast %get3A_115 : vector<1x1x80xf32> to vector<1x80xf32>
      %get3A_117 = arith.index_cast %scan3A_96 : i32 to index
      %get3A_118 = arith.constant 0 : index
      %get3A_119 = vector.load %arg7[%get3A_117, %get3A_118] : memref<200x80xf32, #tpu.memory_space<vmem>>, vector<1x80xf32>
      %get3A_120 = arith.index_cast %scan3A_96 : i32 to index
      %get3A_121 = arith.constant 0 : index
      %get3A_122 = vector.load %arg8[%get3A_120, %get3A_121] : memref<200x80xi32, #tpu.memory_space<vmem>>, vector<1x80xi32>
      %ne3A_123 = arith.constant 0 : i32
      %ne3A_124 = vector.broadcast %ne3A_123 : i32 to vector<1x80xi32>
      %ne3A_125 = arith.cmpi ne, %get3A_122, %ne3A_124 : vector<1x80xi32>
      %max3A = vector.broadcast %get3A_101 : vector<1x80xf32> to vector<200x80xf32>
      %max3A_126 = arith.maximumf %max3A, %get3A_3 : vector<200x80xf32>
      %max3A_127 = vector.broadcast %get3A_106 : vector<1x80xf32> to vector<200x80xf32>
      %max3A_128 = arith.maximumf %max3A_127, %get3A_8 : vector<200x80xf32>
      %min3A = vector.broadcast %get3A_111 : vector<1x80xf32> to vector<200x80xf32>
      %min3A_129 = arith.minimumf %min3A, %get3A_13 : vector<200x80xf32>
      %min3A_130 = vector.broadcast %get3A_116 : vector<1x80xf32> to vector<200x80xf32>
      %min3A_131 = arith.minimumf %min3A_130, %get3A_18 : vector<200x80xf32>
      %sub3A_132 = arith.subf %min3A_129, %max3A_126 : vector<200x80xf32>
      %add3A_133 = arith.constant 1.000000e+00 : f32
      %add3A_134 = vector.broadcast %add3A_133 : f32 to vector<200x80xf32>
      %add3A_135 = arith.addf %sub3A_132, %add3A_134 : vector<200x80xf32>
      %max3A_136 = arith.constant 0.000000e+00 : f32
      %max3A_137 = vector.broadcast %max3A_136 : f32 to vector<200x80xf32>
      %max3A_138 = arith.maximumf %add3A_135, %max3A_137 : vector<200x80xf32>
      %sub3A_139 = arith.subf %min3A_131, %max3A_128 : vector<200x80xf32>
      %add3A_140 = arith.constant 1.000000e+00 : f32
      %add3A_141 = vector.broadcast %add3A_140 : f32 to vector<200x80xf32>
      %add3A_142 = arith.addf %sub3A_139, %add3A_141 : vector<200x80xf32>
      %max3A_143 = arith.constant 0.000000e+00 : f32
      %max3A_144 = vector.broadcast %max3A_143 : f32 to vector<200x80xf32>
      %max3A_145 = arith.maximumf %add3A_142, %max3A_144 : vector<200x80xf32>
      %mul3A_146 = arith.mulf %max3A_138, %max3A_145 : vector<200x80xf32>
      %add3A_147 = vector.broadcast %get3A_119 : vector<1x80xf32> to vector<200x80xf32>
      %add3A_148 = arith.addf %add3A_147, %get3A_37 : vector<200x80xf32>
      %sub3A_149 = arith.subf %add3A_148, %mul3A_146 : vector<200x80xf32>
      %div3A = arith.divf %mul3A_146, %sub3A_149 : vector<200x80xf32>
      %gt3A_150 = arith.constant 5.000000e-01 : f32
      %gt3A_151 = vector.broadcast %gt3A_150 : f32 to vector<200x80xf32>
      %gt3A_152 = arith.cmpf ogt, %div3A, %gt3A_151 : vector<200x80xf32>
      %and3A = vector.broadcast %ne3A_125 : vector<1x80xi1> to vector<200x80xi1>
      %and3A_153 = arith.andi %gt3A_152, %and3A : vector<200x80xi1>
      %get3A_154 = arith.constant 0 : index
      %get3A_155 = arith.constant 0 : index
      %get3A_156 = vector.load %arg8[%get3A_154, %get3A_155] : memref<200x80xi32, #tpu.memory_space<vmem>>, vector<200x80xi32>
      %ne3A_157 = arith.constant 0 : i32
      %ne3A_158 = vector.broadcast %ne3A_157 : i32 to vector<200x80xi32>
      %ne3A_159 = arith.cmpi ne, %get3A_156, %ne3A_158 : vector<200x80xi32>
      %gt3A_160 = vector.broadcast %scan3A_96 : i32 to vector<200x80xi32>
      %gt3A_161 = arith.cmpi sgt, %iota3A, %gt3A_160 : vector<200x80xi32>
      %and3A_162 = arith.andi %and3A_153, %gt3A_161 : vector<200x80xi1>
      %not3A = arith.constant dense<true> : vector<200x80xi1>
      %not3A_163 = arith.xori %and3A_162, %not3A : vector<200x80xi1>
      %and3A_164 = arith.andi %ne3A_159, %not3A_163 : vector<200x80xi1>
      %convert_element_type3A_165 = arith.extui %and3A_164 : vector<200x80xi1> to vector<200x80xi32>
      %swap3A_166 = arith.constant 0 : index
      %swap3A_167 = arith.constant 0 : index
      %swap3A_168 = vector.load %arg8[%swap3A_166, %swap3A_167] : memref<200x80xi32, #tpu.memory_space<vmem>>, vector<200x80xi32>
      tpu.vector_store %arg8[%swap3A_166, %swap3A_167], %convert_element_type3A_165 {strides = array<i32>} : memref<200x80xi32, #tpu.memory_space<vmem>>, vector<200x80xi32>,
    }
    %scan3A_41 = arith.constant 200 : i32
    %get3A_42 = arith.constant 0 : index
    %get3A_43 = arith.constant 0 : index
    %get3A_44 = vector.load %arg8[%get3A_42, %get3A_43] : memref<200x80xi32, #tpu.memory_space<vmem>>, vector<200x80xi32>
    %ne3A = arith.constant 0 : i32
    %ne3A_45 = vector.broadcast %ne3A : i32 to vector<200x80xi32>
    %ne3A_46 = arith.cmpi ne, %get3A_44, %ne3A_45 : vector<200x80xi32>
    %iota3A_47 = tpu.iota {dimensions = array<i32: 1>} : vector<200x80xi32>
    %mul3A_48 = arith.constant 200 : i32
    %mul3A_49 = vector.broadcast %mul3A_48 : i32 to vector<200x80xi32>
    %mul3A_50 = arith.muli %iota3A_47, %mul3A_49 : vector<200x80xi32>
    %add3A_51 = arith.addi %mul3A_50, %iota3A : vector<200x80xi32>
    %jit3A = arith.constant -1.000000e+10 : f32
    %broadcast_in_dim3A = vector.broadcast %jit3A : f32 to vector<200x80xf32>
    %select_n3A = arith.select %ne3A_46, %get3A_21, %broadcast_in_dim3A : vector<200x80xi1>, vector<200x80xf32>
    %get3A_52 = arith.constant 0 : index
    %get3A_53 = arith.constant 0 : index
    %get3A_54 = vector.load %arg2[%get3A_52, %get3A_53] : memref<200x80xi32, #tpu.memory_space<vmem>>, vector<200x80xi32>
    %convert_element_type3A_55 = arith.sitofp %get3A_54 : vector<200x80xi32> to vector<200x80xf32>
    %iota3A_56 = tpu.iota {dimensions = array<i32: 1>} : vector<1x128xi32>
    %broadcast_in_dim3A_57 = arith.constant 0.000000e+00 : f32
    %broadcast_in_dim3A_58 = vector.broadcast %broadcast_in_dim3A_57 : f32 to vector<1x128xf32>
    %broadcast_in_dim3A_59 = arith.constant 0 : i32
    %broadcast_in_dim3A_60 = vector.broadcast %broadcast_in_dim3A_59 : i32 to vector<1x128xi32>
    %scan3A_61 = arith.constant 0 : i32
    %scan3A_62 = arith.constant 100 : i32
    %scan3A_63 = arith.addi %scan3A_61, %scan3A_62 : i32
    %scan3A_64 = arith.constant 1 : i32
    %scan3A_65:8 = scf.for %scan3A_96 = %scan3A_61 to %scan3A_63 step %scan3A_64 iter_args(%scan3A_97 = %select_n3A, %scan3A_98 = %broadcast_in_dim3A_58, %scan3A_99 = %broadcast_in_dim3A_58, %scan3A_100 = %broadcast_in_dim3A_58, %scan3A_101 = %broadcast_in_dim3A_58, %scan3A_102 = %broadcast_in_dim3A_58, %scan3A_103 = %broadcast_in_dim3A_60, %scan3A_104 = %broadcast_in_dim3A_60) -> (vector<200x80xf32>, vector<1x128xf32>, vector<1x128xf32>, vector<1x128xf32>, vector<1x128xf32>, vector<1x128xf32>, vector<1x128xi32>, vector<1x128xi32>)  : i32 {
      %reduce_max3A = vector.shape_cast %scan3A_97 : vector<200x80xf32> to vector<1x200x80xf32>
      %reduce_max3A_105 = arith.constant dense<0xFF800000> : vector<1xf32>
      %reduce_max3A_106 = vector.multi_reduction <maximumf>, %reduce_max3A, %reduce_max3A_105 [1, 2] : vector<1x200x80xf32> to vector<1xf32>
      %reduce_max3A_107 = vector.shape_cast %reduce_max3A_106 : vector<1xf32> to vector<1x1x1xf32>
      %reduce_max3A_108 = vector.extract %reduce_max3A_107[0, 0, 0] : f32 from vector<1x1x1xf32>
      %eq3A = vector.broadcast %reduce_max3A_108 : f32 to vector<200x80xf32>
      %eq3A_109 = arith.cmpf oeq, %scan3A_97, %eq3A : vector<200x80xf32>
      %jit3A_110 = arith.constant 1073741824 : i32
      %broadcast_in_dim3A_111 = vector.broadcast %jit3A_110 : i32 to vector<200x80xi32>
      %select_n3A_112 = arith.select %eq3A_109, %add3A_51, %broadcast_in_dim3A_111 : vector<200x80xi1>, vector<200x80xi32>
      %reduce_min3A = vector.shape_cast %select_n3A_112 : vector<200x80xi32> to vector<1x200x80xi32>
      %reduce_min3A_113 = arith.constant dense<2147483647> : vector<1xi32>
      %reduce_min3A_114 = vector.multi_reduction <minsi>, %reduce_min3A, %reduce_min3A_113 [1, 2] : vector<1x200x80xi32> to vector<1xi32>
      %reduce_min3A_115 = vector.shape_cast %reduce_min3A_114 : vector<1xi32> to vector<1x1x1xi32>
      %reduce_min3A_116 = vector.extract %reduce_min3A_115[0, 0, 0] : i32 from vector<1x1x1xi32>
      %eq3A_117 = vector.broadcast %reduce_min3A_116 : i32 to vector<200x80xi32>
      %eq3A_118 = arith.cmpi eq, %add3A_51, %eq3A_117 : vector<200x80xi32>
      %jit3A_119 = arith.constant -2.000000e+10 : f32
      %broadcast_in_dim3A_120 = vector.broadcast %jit3A_119 : f32 to vector<200x80xf32>
      %select_n3A_121 = arith.select %eq3A_118, %broadcast_in_dim3A_120, %scan3A_97 : vector<200x80xi1>, vector<200x80xf32>
      %eq3A_122 = vector.broadcast %scan3A_96 : i32 to vector<1x128xi32>
      %eq3A_123 = arith.cmpi eq, %iota3A_56, %eq3A_122 : vector<1x128xi32>
      %broadcast_in_dim3A_124 = vector.broadcast %reduce_max3A_108 : f32 to vector<1x128xf32>
      %select_n3A_125 = arith.select %eq3A_123, %broadcast_in_dim3A_124, %scan3A_98 : vector<1x128xi1>, vector<1x128xf32>
      %jit3A_126 = arith.constant 0.000000e+00 : f32
      %broadcast_in_dim3A_127 = vector.broadcast %jit3A_126 : f32 to vector<200x80xf32>
      %select_n3A_128 = arith.select %eq3A_118, %get3A_3, %broadcast_in_dim3A_127 : vector<200x80xi1>, vector<200x80xf32>
      %reduce_sum3A = vector.shape_cast %select_n3A_128 : vector<200x80xf32> to vector<1x200x80xf32>
      %reduce_sum3A_129 = arith.constant dense<0.000000e+00> : vector<1xf32>
      %reduce_sum3A_130 = vector.multi_reduction <add>, %reduce_sum3A, %reduce_sum3A_129 [1, 2] : vector<1x200x80xf32> to vector<1xf32>
      %reduce_sum3A_131 = vector.shape_cast %reduce_sum3A_130 : vector<1xf32> to vector<1x1x1xf32>
      %reduce_sum3A_132 = vector.extract %reduce_sum3A_131[0, 0, 0] : f32 from vector<1x1x1xf32>
      %broadcast_in_dim3A_133 = vector.broadcast %reduce_sum3A_132 : f32 to vector<1x128xf32>
      %select_n3A_134 = arith.select %eq3A_123, %broadcast_in_dim3A_133, %scan3A_99 : vector<1x128xi1>, vector<1x128xf32>
      %jit3A_135 = arith.constant 0.000000e+00 : f32
      %broadcast_in_dim3A_136 = vector.broadcast %jit3A_135 : f32 to vector<200x80xf32>
      %select_n3A_137 = arith.select %eq3A_118, %get3A_8, %broadcast_in_dim3A_136 : vector<200x80xi1>, vector<200x80xf32>
      %reduce_sum3A_138 = vector.shape_cast %select_n3A_137 : vector<200x80xf32> to vector<1x200x80xf32>
      %reduce_sum3A_139 = arith.constant dense<0.000000e+00> : vector<1xf32>
      %reduce_sum3A_140 = vector.multi_reduction <add>, %reduce_sum3A_138, %reduce_sum3A_139 [1, 2] : vector<1x200x80xf32> to vector<1xf32>
      %reduce_sum3A_141 = vector.shape_cast %reduce_sum3A_140 : vector<1xf32> to vector<1x1x1xf32>
      %reduce_sum3A_142 = vector.extract %reduce_sum3A_141[0, 0, 0] : f32 from vector<1x1x1xf32>
      %broadcast_in_dim3A_143 = vector.broadcast %reduce_sum3A_142 : f32 to vector<1x128xf32>
      %select_n3A_144 = arith.select %eq3A_123, %broadcast_in_dim3A_143, %scan3A_100 : vector<1x128xi1>, vector<1x128xf32>
      %jit3A_145 = arith.constant 0.000000e+00 : f32
      %broadcast_in_dim3A_146 = vector.broadcast %jit3A_145 : f32 to vector<200x80xf32>
      %select_n3A_147 = arith.select %eq3A_118, %get3A_13, %broadcast_in_dim3A_146 : vector<200x80xi1>, vector<200x80xf32>
      %reduce_sum3A_148 = vector.shape_cast %select_n3A_147 : vector<200x80xf32> to vector<1x200x80xf32>
      %reduce_sum3A_149 = arith.constant dense<0.000000e+00> : vector<1xf32>
      %reduce_sum3A_150 = vector.multi_reduction <add>, %reduce_sum3A_148, %reduce_sum3A_149 [1, 2] : vector<1x200x80xf32> to vector<1xf32>
      %reduce_sum3A_151 = vector.shape_cast %reduce_sum3A_150 : vector<1xf32> to vector<1x1x1xf32>
      %reduce_sum3A_152 = vector.extract %reduce_sum3A_151[0, 0, 0] : f32 from vector<1x1x1xf32>
      %broadcast_in_dim3A_153 = vector.broadcast %reduce_sum3A_152 : f32 to vector<1x128xf32>
      %select_n3A_154 = arith.select %eq3A_123, %broadcast_in_dim3A_153, %scan3A_101 : vector<1x128xi1>, vector<1x128xf32>
      %jit3A_155 = arith.constant 0.000000e+00 : f32
      %broadcast_in_dim3A_156 = vector.broadcast %jit3A_155 : f32 to vector<200x80xf32>
      %select_n3A_157 = arith.select %eq3A_118, %get3A_18, %broadcast_in_dim3A_156 : vector<200x80xi1>, vector<200x80xf32>
      %reduce_sum3A_158 = vector.shape_cast %select_n3A_157 : vector<200x80xf32> to vector<1x200x80xf32>
      %reduce_sum3A_159 = arith.constant dense<0.000000e+00> : vector<1xf32>
      %reduce_sum3A_160 = vector.multi_reduction <add>, %reduce_sum3A_158, %reduce_sum3A_159 [1, 2] : vector<1x200x80xf32> to vector<1xf32>
      %reduce_sum3A_161 = vector.shape_cast %reduce_sum3A_160 : vector<1xf32> to vector<1x1x1xf32>
      %reduce_sum3A_162 = vector.extract %reduce_sum3A_161[0, 0, 0] : f32 from vector<1x1x1xf32>
      %broadcast_in_dim3A_163 = vector.broadcast %reduce_sum3A_162 : f32 to vector<1x128xf32>
      %select_n3A_164 = arith.select %eq3A_123, %broadcast_in_dim3A_163, %scan3A_102 : vector<1x128xi1>, vector<1x128xf32>
      %jit3A_165 = arith.constant 200 : i32
      %div3A = arith.divsi %reduce_min3A_116, %jit3A_165 : i32
      %sign3A = arith.constant 0 : i32
      %sign3A_166 = arith.cmpi sgt, %reduce_min3A_116, %sign3A : i32
      %sign3A_167 = arith.extui %sign3A_166 : i1 to i32
      %sign3A_168 = arith.constant 0 : i32
      %sign3A_169 = arith.cmpi slt, %reduce_min3A_116, %sign3A_168 : i32
      %sign3A_170 = arith.extui %sign3A_169 : i1 to i32
      %sign3A_171 = arith.subi %sign3A_167, %sign3A_170 : i32
      %sign3A_172 = arith.constant 0 : i32
      %sign3A_173 = arith.cmpi sgt, %jit3A_165, %sign3A_172 : i32
      %sign3A_174 = arith.extui %sign3A_173 : i1 to i32
      %sign3A_175 = arith.constant 0 : i32
      %sign3A_176 = arith.cmpi slt, %jit3A_165, %sign3A_175 : i32
      %sign3A_177 = arith.extui %sign3A_176 : i1 to i32
      %sign3A_178 = arith.subi %sign3A_174, %sign3A_177 : i32
      %ne3A_179 = arith.cmpi ne, %sign3A_171, %sign3A_178 : i32
      %rem3A = arith.remsi %reduce_min3A_116, %jit3A_165 : i32
      %ne3A_180 = arith.constant 0 : i32
      %ne3A_181 = arith.cmpi ne, %rem3A, %ne3A_180 : i32
      %and3A = arith.andi %ne3A_179, %ne3A_181 : i1
      %sub3A_182 = arith.constant 1 : i32
      %sub3A_183 = arith.subi %div3A, %sub3A_182 : i32
      %select_n3A_184 = arith.select %and3A, %sub3A_183, %div3A : i32
      %add3A_185 = arith.constant 1 : i32
      %add3A_186 = arith.addi %select_n3A_184, %add3A_185 : i32
      %broadcast_in_dim3A_187 = vector.broadcast %add3A_186 : i32 to vector<1x128xi32>
      %select_n3A_188 = arith.select %eq3A_123, %broadcast_in_dim3A_187, %scan3A_103 : vector<1x128xi1>, vector<1x128xi32>
      %jit3A_189 = arith.constant 0.000000e+00 : f32
      %broadcast_in_dim3A_190 = vector.broadcast %jit3A_189 : f32 to vector<200x80xf32>
      %select_n3A_191 = arith.select %eq3A_118, %convert_element_type3A_55, %broadcast_in_dim3A_190 : vector<200x80xi1>, vector<200x80xf32>
      %reduce_sum3A_192 = vector.shape_cast %select_n3A_191 : vector<200x80xf32> to vector<1x200x80xf32>
      %reduce_sum3A_193 = arith.constant dense<0.000000e+00> : vector<1xf32>
      %reduce_sum3A_194 = vector.multi_reduction <add>, %reduce_sum3A_192, %reduce_sum3A_193 [1, 2] : vector<1x200x80xf32> to vector<1xf32>
      %reduce_sum3A_195 = vector.shape_cast %reduce_sum3A_194 : vector<1xf32> to vector<1x1x1xf32>
      %reduce_sum3A_196 = vector.extract %reduce_sum3A_195[0, 0, 0] : f32 from vector<1x1x1xf32>
      %convert_element_type3A_197 = arith.fptosi %reduce_sum3A_196 : f32 to i32
      %broadcast_in_dim3A_198 = vector.broadcast %convert_element_type3A_197 : i32 to vector<1x128xi32>
      %select_n3A_199 = arith.select %eq3A_123, %broadcast_in_dim3A_198, %scan3A_104 : vector<1x128xi1>, vector<1x128xi32>
      scf.yield %select_n3A_121, %select_n3A_125, %select_n3A_134, %select_n3A_144, %select_n3A_154, %select_n3A_164, %select_n3A_188, %select_n3A_199 : vector<200x80xf32>, vector<1x128xf32>, vector<1x128xf32>, vector<1x128xf32>, vector<1x128xf32>, vector<1x128xf32>, vector<1x128xi32>, vector<1x128xi32>
    }
    %scan3A_66 = arith.constant 100 : i32
    %swap3A_67 = arith.constant 0 : index
    %swap3A_68 = arith.constant 0 : index
    %swap3A_69 = vector.load %arg4[%swap3A_67, %swap3A_68] : memref<1x128xf32, #tpu.memory_space<vmem>>, vector<1x128xf32>
    tpu.vector_store %arg4[%swap3A_67, %swap3A_68], %scan3A_65#1 {strides = array<i32>} : memref<1x128xf32, #tpu.memory_space<vmem>>, vector<1x128xf32>,
    %broadcast_in_dim3A_70 = vector.shape_cast %scan3A_65#2 : vector<1x128xf32> to vector<1x1x128xf32>
    %swap3A_71 = arith.constant 0 : index
    %swap3A_72 = arith.constant 0 : index
    %swap3A_73 = arith.constant 0 : index
    %swap3A_74 = vector.load %arg3[%swap3A_71, %swap3A_72, %swap3A_73] : memref<4x1x128xf32, #tpu.memory_space<vmem>>, vector<1x1x128xf32>
    tpu.vector_store %arg3[%swap3A_71, %swap3A_72, %swap3A_73], %broadcast_in_dim3A_70 {strides = array<i32>} : memref<4x1x128xf32, #tpu.memory_space<vmem>>, vector<1x1x128xf32>,
    %broadcast_in_dim3A_75 = vector.shape_cast %scan3A_65#3 : vector<1x128xf32> to vector<1x1x128xf32>
    %swap3A_76 = arith.constant 1 : index
    %swap3A_77 = arith.constant 0 : index
    %swap3A_78 = arith.constant 0 : index
    %swap3A_79 = vector.load %arg3[%swap3A_76, %swap3A_77, %swap3A_78] : memref<4x1x128xf32, #tpu.memory_space<vmem>>, vector<1x1x128xf32>
    tpu.vector_store %arg3[%swap3A_76, %swap3A_77, %swap3A_78], %broadcast_in_dim3A_75 {strides = array<i32>} : memref<4x1x128xf32, #tpu.memory_space<vmem>>, vector<1x1x128xf32>,
    %broadcast_in_dim3A_80 = vector.shape_cast %scan3A_65#4 : vector<1x128xf32> to vector<1x1x128xf32>
    %swap3A_81 = arith.constant 2 : index
    %swap3A_82 = arith.constant 0 : index
    %swap3A_83 = arith.constant 0 : index
    %swap3A_84 = vector.load %arg3[%swap3A_81, %swap3A_82, %swap3A_83] : memref<4x1x128xf32, #tpu.memory_space<vmem>>, vector<1x1x128xf32>
    tpu.vector_store %arg3[%swap3A_81, %swap3A_82, %swap3A_83], %broadcast_in_dim3A_80 {strides = array<i32>} : memref<4x1x128xf32, #tpu.memory_space<vmem>>, vector<1x1x128xf32>,
    %broadcast_in_dim3A_85 = vector.shape_cast %scan3A_65#5 : vector<1x128xf32> to vector<1x1x128xf32>
    %swap3A_86 = arith.constant 3 : index
    %swap3A_87 = arith.constant 0 : index
    %swap3A_88 = arith.constant 0 : index
    %swap3A_89 = vector.load %arg3[%swap3A_86, %swap3A_87, %swap3A_88] : memref<4x1x128xf32, #tpu.memory_space<vmem>>, vector<1x1x128xf32>
    tpu.vector_store %arg3[%swap3A_86, %swap3A_87, %swap3A_88], %broadcast_in_dim3A_85 {strides = array<i32>} : memref<4x1x128xf32, #tpu.memory_space<vmem>>, vector<1x1x128xf32>,
    %swap3A_90 = arith.constant 0 : index
    %swap3A_91 = arith.constant 0 : index
    %swap3A_92 = vector.load %arg5[%swap3A_90, %swap3A_91] : memref<1x128xi32, #tpu.memory_space<vmem>>, vector<1x128xi32>
    tpu.vector_store %arg5[%swap3A_90, %swap3A_91], %scan3A_65#6 {strides = array<i32>} : memref<1x128xi32, #tpu.memory_space<vmem>>, vector<1x128xi32>,
    %swap3A_93 = arith.constant 0 : index
    %swap3A_94 = arith.constant 0 : index
    %swap3A_95 = vector.load %arg6[%swap3A_93, %swap3A_94] : memref<1x128xi32, #tpu.memory_space<vmem>>, vector<1x128xi32>
    tpu.vector_store %arg6[%swap3A_93, %swap3A_94], %scan3A_65#7 {strides = array<i32>} : memref<1x128xi32, #tpu.memory_space<vmem>>, vector<1x128xi32>,
    return
  }
}

</mosaic_0001>

<sc_bundles>
// kernel: kernel.7.cloned.1.call-start
scs
__scs_entry_jumppad:
0x0: {  	(pc) =	sbr.rel $0x88, $3  }
0x1: {  	(tag) =	ssettag $0x0;
	lr =	simm.s32 $0x1  }
0x2: {  	[smem:$0x3F9D] =	sst lr;
	_ =	strace $0xD0000000  }
0x3: {  	_ = 	snop  }
0x4: {  	_ = 	snop  }
0x5: {  	_ = 	snop  }
0x6: {  	_ = 	snop  }
0x7: {  	_ = 	snop  }
__scs_overlays_trampoline_lowered:
0x8: {  	[smem:$0x3FAC] =	sst s0  }
0x9: {  	[smem:$0x3FAD] =	sst s1  }
0xa: {  	[smem:$0x3FAE] =	sst s2  }
0xb: {  	[smem:$0x3FAF] =	sst s3  }
0xc: {  	[smem:$0x3FB0] =	sst s4  }
0xd: {  	[smem:$0x3FB1] =	sst s5  }
0xe: {  	[smem:$0x3FB2] =	sst s6  }
0xf: {  	[smem:$0x3FB3] =	sst s7  }
0x10: {  	[smem:$0x3FB4] =	sst s8  }
0x11: {  	[smem:$0x3FB5] =	sst s9;
	s0 =	simm.s32 @!p0 $0x0  }
0x12: {  	s1 =	sld [smem:$0x3F9B];
	s0 =	simm.s32 @p0 $0x1  }
0x13: {  	[smem:$0x3FB6] =	sst s0;
	s0 =	simm.s32 @!p1 $0x0  }
0x14: {  	s2 =	sld [smem:$0x3F9A];
	s0 =	simm.s32 @p1 $0x1  }
0x15: {  	[smem:$0x3FB7] =	sst s0;
	s0 =	simm.s32 @!p2 $0x0  }
0x16: {  	s3 =	sld [smem:$0x3FDB];
	s0 =	simm.s32 @p2 $0x1  }
0x17: {  	s4 =	simm.s32 $0x1BF5;
	[smem:$0x3FB9] =	sst s0  }
0x18: {  	s0 =	sld [smem:$0x3F9C];
	_ =	swait.ge [sflag:s4], $0x0  }
0x19: {  	s7 =	sld [smem:$0x3F9D]  }
0x1a: {  	s8 =	sadd.s32 $0xFFFFE003, lr  }
0x1b: {  	s9 =	sadd.s32 $0xFFFFFEF7, lr;
	s5 =	simm.s32 $0xFFFFFFFF;
	p2 =	slt.u32 s8, $0xFFFFF086  }
0x1c: {  	p1 =	slt.u32 s9, $0xF7A;
	s5 =	simm.s32 @!p2 $0x0  }
0x1d: {  	s5 =	simm.s32 @p1 $0x1;
	p0 =	seq.s32 s7, s2  }
0x1e: {  	s7 =	smul.u32 @!p0 $0xF7A, s2;
	p2 =	seq.s32 @!p0 s5, $0x0  }
0x1f: {  	s9 =	smul.u32 $0xF7A, s1;
	s8 =	simm.s32 @!p0 $0x1BF5;
	p2 =	por !p2, p0  }
0x20: {  	[sflag:s8] =	ssyncset.s32 @!p0 $0xFFFFF086;
	s6 =	sadd.s32 @!p0 s3, s7;
	s7 =	simm.s32 @!p0 $0x108  }
0x21: {  	s3 =	sadd.s32 s3, s9;
	s6 =	sadd.s32 @!p0 $0x88, s6;
	s7 =	simm.s32 @p2 $0x1082  }
0x22: {  	[simem:s7], [sflag:s8] =	dma.local @!p0 [hbm:s6], $0xF7A  }
0x23: {  	s9 =	sor.u32 $0xD0000000, s2;
	s6 =	simm.s32 $0x108;
	_ =	swait.ge @!p0 [sflag:s8], $0x0  }
0x24: {  	s3 =	sadd.s32 $0x88, s3;
	s6 =	simm.s32 @!p1 $0x1082;
	[sflag:s4] =	ssyncset.s32 $0xFFFFF086  }
0x25: {  	[simem:s6], [sflag:s4] =	dma.local [hbm:s3], $0xF7A  }
0x26: {  	[smem:$0x3F9D] =	sst s1;
	(tag) =	ssettag s2;
	_ =	strace s9  }
0x27: {  	s1 =	sld [smem:$0x3FAD]  }
0x28: {  	s2 =	sld [smem:$0x3FAE]  }
0x29: {  	s4 =	sld [smem:$0x3FB0]  }
0x2a: {  	p0 =	seq.s32 s5, $0x0;
	s5 =	sld [smem:$0x3FB1]  }
0x2b: {  	s6 =	sld [smem:$0x3FB2]  }
0x2c: {  	s7 =	sld [smem:$0x3FB3]  }
0x2d: {  	s3 =	simm.s32 $0x108;
	s8 =	sld [smem:$0x3FB4]  }
0x2e: {  	s3 =	simm.s32 @!p0 $0x1082;
	s9 =	sld [smem:$0x3FB5]  }
0x2f: {  	lr =	sadd.s32 s0, s3;
	s0 =	sld [smem:$0x3FAC]  }
0x30: {  	s3 =	sld [smem:$0x3FAF]  }
0x31: {  	[smem:$0x3FB8] =	sst s10  }
0x32: {  	s10 =	sld [smem:$0x3FB6];
	_ =	sdelay $0x3  }
0x33: {  	p0 =	seq.s32 s10, $0x1;
	s10 =	sld [smem:$0x3FB8];
	_ =	sdelay $0x3  }
0x34: {  	[smem:$0x3FB8] =	sst s10  }
0x35: {  	s10 =	sld [smem:$0x3FB7];
	_ =	sdelay $0x3  }
0x36: {  	p1 =	seq.s32 s10, $0x1;
	s10 =	sld [smem:$0x3FB8];
	_ =	sdelay $0x3  }
0x37: {  	[smem:$0x3FB8] =	sst s10  }
0x38: {  	s10 =	sld [smem:$0x3FB9]  }
0x39: {  	_ = 	snop;
	(pc) =	sbr.ind lr, $3  }
0x3a: {  	_ = 	snop  }
0x3b: {  	_ = 	snop  }
0x3c: {  	p2 =	seq.s32 s10, $0x1;
	s10 =	sld [smem:$0x3FB8]  }
0x3d: {  	_ =	shalt  }
0x3e: {  	_ =	shalt  }
0x3f: {  	_ =	shalt  }
0x40: {  	_ =	shalt  }
0x41: {  	_ =	shalt  }
0x42: {  	_ =	shalt  }
0x43: {  	_ =	shalt  }
0x44: {  	_ =	shalt  }
0x45: {  	_ =	shalt  }
0x46: {  	_ =	shalt  }
0x47: {  	_ =	shalt  }
0x48: {  	_ =	shalt  }
0x49: {  	_ =	shalt  }
0x4a: {  	_ =	shalt  }
0x4b: {  	_ =	shalt  }
0x4c: {  	_ =	shalt  }
0x4d: {  	_ =	shalt  }
0x4e: {  	_ =	shalt  }
0x4f: {  	_ =	shalt  }
0x50: {  	_ =	shalt  }
0x51: {  	_ =	shalt  }
0x52: {  	_ =	shalt  }
0x53: {  	_ =	shalt  }
0x54: {  	_ =	shalt  }
0x55: {  	_ =	shalt  }
0x56: {  	_ =	shalt  }
0x57: {  	_ =	shalt  }
0x58: {  	_ =	shalt  }
0x59: {  	_ =	shalt  }
0x5a: {  	_ =	shalt  }
0x5b: {  	_ =	shalt  }
0x5c: {  	_ =	shalt  }
0x5d: {  	_ =	shalt  }
0x5e: {  	_ =	shalt  }
0x5f: {  	_ =	shalt  }
0x60: {  	_ =	shalt  }
0x61: {  	_ =	shalt  }
0x62: {  	_ =	shalt  }
0x63: {  	_ =	shalt  }
0x64: {  	_ =	shalt  }
0x65: {  	_ =	shalt  }
0x66: {  	_ =	shalt  }
0x67: {  	_ =	shalt  }
0x68: {  	_ =	shalt  }
0x69: {  	_ =	shalt  }
0x6a: {  	_ =	shalt  }
0x6b: {  	_ =	shalt  }
0x6c: {  	_ =	shalt  }
0x6d: {  	_ =	shalt  }
0x6e: {  	_ =	shalt  }
0x6f: {  	_ =	shalt  }
0x70: {  	_ =	shalt  }
0x71: {  	_ =	shalt  }
0x72: {  	_ =	shalt  }
0x73: {  	_ =	shalt  }
0x74: {  	_ =	shalt  }
0x75: {  	_ =	shalt  }
0x76: {  	_ =	shalt  }
0x77: {  	_ =	shalt  }
0x78: {  	_ =	shalt  }
0x79: {  	_ =	shalt  }
0x7a: {  	_ =	shalt  }
0x7b: {  	_ =	shalt  }
0x7c: {  	_ =	shalt  }
0x7d: {  	_ =	shalt  }
0x7e: {  	_ =	shalt  }
0x7f: {  	_ =	shalt  }
0x80: {  	_ =	shalt  }
0x81: {  	_ =	shalt  }
0x82: {  	_ =	shalt  }
0x83: {  	_ =	shalt  }
0x84: {  	_ =	shalt  }
0x85: {  	_ =	shalt  }
0x86: {  	_ =	shalt  }
0x87: {  	_ =	shalt  }
.Lfunc_end0:
.L_simem_size_0:
called_computation_lowered:
.L_overlay_start_0:
0x88: {  	s2 =	sld [smem:$0x3FD9]  }
0x89: {  	s3 =	sld [smem:$0x3FFE];
	_ =	sdelay $0x1  }
0x8a: {  	s1 =	srdreg.scid  }
0x8b: {  	s0 =	sand.u32 $0x1, s1  }
0x8c: {  	s14 =	sshll.u32 s0, $0xA;
	s2 =	sadd.s32 s3, s2  }
0x8d: {  	s2 =	sadd.s32 s2, s14  }
0x8e: {  	[smem:$0x3FC4] =	sst s2  }
0x8f: {  	_ = 	snop  }
0x90: {  	s2 =	sld [smem:$0x3FD0];
	_ =	sdelay $0x2  }
0x91: {  	s4 =	simm.s32 $0xA;
	s5 =	simm.s32 $0x10;
	s15 =	sld [smem:$0x3FC6]  }
0x92: {  	[smem:s5], [sflag:s4] =	dma.local [hbm:s2], $0x1  }
0x93: {  	_ =	swait.eq [sflag:s4], $0x1  }
0x94: {  	[sflag:s4] =	ssyncset.done $0x0  }
0x95: {  	[sflag:s4] =	ssyncadd.s32 $0xFFFFFFFF  }
0x96: {  	s16 =	sld [smem:$0x13];
	(tm) =	ssettm $0x1  }
0x97: {  	s17 =	sld [smem:$0x3FFB];
	_ =	sdelay $0x3  }
0x98: {  	_ =	strace s17  }
0x99: {  	s4 =	sld [smem:$0x3FFC];
	_ =	sdelay $0x3  }
0x9a: {  	_ =	strace s4  }
0x9b: {  	s4 =	sld [smem:$0x3FFD];
	_ =	sdelay $0x3  }
0x9c: {  	_ =	strace s4  }
0x9d: {  	_ =	strace $0x8FFFFFFF  }
0x9e: {  	s18 =	sld [smem:$0x3FDB];
	_ =	sdelay $0x1  }
0x9f: {  	s19 =	simm.s32 $_scs_section_size  }
0xa0: {  	s6 =	simm.s32 $_size__tile_overlayer_lowered;
	s7 =	simm.s32 $_tile_overlayer_lowered  }
0xa1: {  	s22 =	simm.s32 $0x1BFF;
	s21 =	sshll.u32 s7, $0x1;
	s4 =	sadd.s32 s19, s18  }
0xa2: {  	s8 =	simm.s32 $0x0;
	s20 =	sshll.u32 s6, $0x1;
	s6 =	sadd.s32 s21, s4  }
0xa3: {  	[timem:s8], [sflag:s22] =	dma.local [hbm:s6], s20  }
0xa4: {  	_ =	swait.ge [sflag:s22], s20  }
0xa5: {  	s5 =	ssub.s32 $0x0, s20;
	[sflag:s22] =	ssyncset.done $0x0  }
0xa6: {  	[sflag:s22] =	ssyncadd.s32 s5;
	_ =	sdelay $0x1  }
0xa7: {  	s23 =	simm.s32 $0x1B8B  }
0xa8: {  	_ =	swait.ge [sflag:s23], $0x1  }
0xa9: {  	[sflag:s23] =	ssyncset.done $0x0  }
0xaa: {  	s25 =	simm.s32 $0x1B8E;
	s24 =	sld [smem:$0x3FFE];
	[sflag:s23] =	ssyncadd.s32 $0xFFFFFFFF  }
0xab: {  	s26 =	simm.s32 $execute0_lowered;
	[smem:$0x3FD2] =	sst s25  }
0xac: {  	s6 =	sshll.u32 s26, $0x1;
	_ =	strace $0x80000046;
	[dreg:$0x1] =	wrdreg $0xFFFFFFFF  }
0xad: {  	s28 =	simm.s32 $_size_execute0_lowered;
	s4 =	sadd.s32 s4, s6;
	[dreg:$0x0] =	wrdreg $0x0  }
0xae: {  	s6 =	sshll.u32 s28, $0x1;
	[dreg:$0x2] =	wrdreg s4  }
0xaf: {  	[dreg:$0x3] =	wrdreg s6  }
0xb0: {  	[dreg:$0x4] =	wrdreg $0xC0  }
0xb1: {  	_ =	task [dreg:s8], $0x5FFFF  }
0xb2: {  	[dreg:$0x1] =	wrdreg $0xFFFFFFFF  }
0xb3: {  	[dreg:$0x0] =	wrdreg $0x60  }
0xb4: {  	[dreg:$0x2] =	wrdreg s15  }
0xb5: {  	[dreg:$0x3] =	wrdreg s16  }
0xb6: {  	[dreg:$0x4] =	wrdreg s24  }
0xb7: {  	[dreg:$0x5] =	wrdreg $0x9  }
0xb8: {  	_ =	task.clear_ibuf [dreg:s8], $0x6FFFF;
	_ =	strace $0x90000046  }
0xb9: {  	s29 =	simm.s32 $0x9;
	_ =	strace $0x80000048  }
0xba: {  	_ =	swait.ge [sflag:s29], $0x1  }
0xbb: {  	[sflag:s29] =	ssyncadd.s32 $0xFFFFFFFF  }
0xbc: {  	_ =	strace $0x90000048  }
0xbd: {  	_ =	sfence  }
0xbe: {  	s30 =	sld [smem:$0x0];
	_ =	sdelay $0x2  }
0xbf: {  	s31 =	sshll.u32 s1, $0xD;
	s1 =	sshrl.u32 s1, $0x2  }
0xc0: {  	s3 =	sand.u32 $0x4000, s31;
	s1 =	sadd.s32 s1, s30  }
0xc1: {  	s0 =	sor.u32 s3, s0;
	s1 =	sshll.u32 s1, $0x11  }
0xc2: {  	s0 =	sor.u32 s1, s0  }
0xc3: {  	s0 =	sadd.s32 $0x8F2B, s0  }
0xc4: {  	[sflag:s0] =	ssyncadd.remote.s32 $0x1  }
0xc5: {  	_ =	sfence.sel $0xFFFF  }
0xc6: {  	[dreg:$0x0] =	wrdreg $0xFFFFFFFF;
	(pc) =	sbr.abs _section_cstart, $3  }
0xc7: {  	[dreg:$0x1] =	wrdreg $0xFFFFFFFF  }
0xc8: {  	_ =	task.clear_ibuf [dreg:s8], $0x2FFFF;
	_ =	strace $0x9FFFFFFF  }
0xc9: {  	(tm) =	ssettm $0x7FFFFFFF  }
tec
execute0_lowered:
.L_overlay_start_1:
0x0: {  	(tag) =	ssettag $0x1  }
0x1: {  	s1 =	rddreg [dreg:$0x0];
	s2 =	srdreg.scid  }
0x2: {  	s4 =	rddreg [dreg:$0x1];
	s0 =	stileid.u32;
	s9 =	sand.u32 $0x1, s2  }
0x3: {  	s14 =	rddreg [dreg:$0x2];
	s5 =	sshll.u32 s0, $0x4;
	s6 =	sshll.u32 s9, $0x3  }
0x4: {  	s3 =	simm.s32 $0x0;
	s2 =	rddreg [dreg:$0x3];
	s15 =	sor.u32 s6, s5  }
0x5: {  	[smem:$0x7FF] =	sst s3;
	s5 =	sshrl.u32 s15, $0x3  }
0x6: {  	_ =	strace $0x80000047;
	s5 =	sadd.s32 s4, s5;
	s4 =	simm.s32 $0x2  }
0x7: {  	[tilespmem:s3], [sflag:$0x2] =	stream.linear.gather [hbm4b:s5+s3], $0x8, $0x38;
	[tilespmem:$0x2080] =	vst v63  }
0x8: {  	_ =	swait.ge [sflag:s4], $0x8  }
0x9: {  	[sflag:s4] =	ssyncset.done $0x0  }
0xa: {  	[sflag:s4] =	ssyncadd.s32 $0xFFFFFFF8  }
0xb: {  	v0 =	vld.msk [tilespmem:$0x0], $0xff;
	_ =	sdelay $0x4  }
0xc: {  	v1 =	vshll.u32 v0, $0x3  }
0xd: {  	v2 =	vlaneseq.u32;
	v3 =	vand.u32 $0x7, v0;
	v1 =	vand.u32 $0xFFFFFFC0, v1  }
0xe: {  	v0 =	vand.u32 $0x7, v2;
	v2 =	vshrl.u32 v2, $0x3;
	v3 =	vor.u32 v3, v1  }
0xf: {  	v1 =	vmul.u32 $0x8, v2;
	v2 =	vperm.xlane v3, v0;
	_ =	sdelay $0x1  }
0x10: {  	v2 =	vadd.s32 v1, v2;
	_ =	sdelay $0x2  }
0x11: {  	s8 =	simm.s32 $0x880;
	s10 =	simm.s32 $0x1080  }
0x12: {  	vm0 =	vmmov $0xffff;
	s12 =	simm.s32 $0x1880;
	s16 =	ssub.s32 $0x2, s9;
	s6 =	simm.s32 $0x80  }
0x13: {  	[tilespmem:s6], [sflag:$0x1] =	stream.indirect_vreg.gather [hbm4b:s1+s3], $0x80, v2, vm0, $0xb8;
	[tilespmem:$0x2080] =	vst v63  }
0x14: {  	s13 =	simm.s32 $0x1;
	s7 =	sadd.s32 $0x100, s1;
	s17 =	sshrl.u32 s16, $0x1  }
0x15: {  	[tilespmem:s8], [sflag:$0x1] =	stream.indirect_vreg.gather [hbm4b:s7+s3], $0x80, v2, vm0, $0xb8;
	[tilespmem:$0x2080] =	vst v63  }
0x16: {  	s9 =	sadd.s32 $0x200, s1;
	s15 =	sshll.u32 s15, $0x7;
	s31 =	ssub.s32 s16, s17  }
0x17: {  	[tilespmem:s10], [sflag:$0x1] =	stream.indirect_vreg.gather [hbm4b:s9+s3], $0x80, v2, vm0, $0xb8;
	[tilespmem:$0x2080] =	vst v63  }
0x18: {  	s11 =	sadd.s32 $0x300, s1;
	s14 =	sadd.s32 s15, s14;
	s15 =	smax.u32 s31, $0x1  }
0x19: {  	[tilespmem:s12], [sflag:$0x1] =	stream.indirect_vreg.gather [hbm4b:s11+s3], $0x80, v2, vm0, $0xb8;
	[tilespmem:$0x2080] =	vst v63  }
0x1a: {  	p0 =	sne.s32 s15, $0x1;
	_ =	swait.ge [sflag:s13], $0x2000  }
.Ltmp0:
0x1b: {  	[sflag:s13] =	ssyncset.done $0x0;
	(pc) =	sbr.rel @!p0 .LBB2_2-.Ltmp0, $4  }
0x1c: {  	s14 =	sadd.s32 $0xE00, s14;
	[sflag:s13] =	ssyncadd.s32 $0xFFFFE000  }
0x1d: {  	[hbm4b:s14+s3] =	stream.linear.scatter [tilespmem:s6], [sflag:$0x2], $0x2000, $0x38;
	[tilespmem:$0x2080] =	vst v63  }
0x1e: {  	_ =	swait.ge [sflag:s4], $0x2000  }
0x1f: {  	s15 =	sadd.s32 $0xFFFFFFFF, s15;
	[sflag:s4] =	ssyncset.done $0x0  }
.LBB2_1:
0x20: {  	p0 =	sne.s32 s15, $0x1;
	s15 =	sadd.s32 $0xFFFFFFFF, s15;
	[sflag:s4] =	ssyncadd.s32 $0xFFFFE000  }
0x21: {  	[tilespmem:s3], [sflag:$0x2] =	stream.linear.gather [hbm4b:s5+s3], $0x8, $0x38;
	[tilespmem:$0x2080] =	vst v63  }
0x22: {  	_ =	swait.ge [sflag:s4], $0x8  }
0x23: {  	[sflag:s4] =	ssyncset.done $0x0  }
0x24: {  	[sflag:s4] =	ssyncadd.s32 $0xFFFFFFF8  }
0x25: {  	v2 =	vld.msk [tilespmem:$0x0], $0xff;
	_ =	sdelay $0x4  }
0x26: {  	v3 =	vshll.u32 v2, $0x3  }
0x27: {  	v2 =	vand.u32 $0x7, v2;
	v3 =	vand.u32 $0xFFFFFFC0, v3  }
0x28: {  	v2 =	vor.u32 v2, v3  }
0x29: {  	v2 =	vperm.xlane v2, v0;
	_ =	sdelay $0x1  }
0x2a: {  	v2 =	vadd.s32 v1, v2;
	_ =	sdelay $0x4  }
0x2b: {  	[tilespmem:s6], [sflag:$0x1] =	stream.indirect_vreg.gather [hbm4b:s1+s3], $0x80, v2, vm0, $0xb8;
	[tilespmem:$0x2080] =	vst v63  }
0x2c: {  	_ = 	snop  }
0x2d: {  	[tilespmem:s8], [sflag:$0x1] =	stream.indirect_vreg.gather [hbm4b:s7+s3], $0x80, v2, vm0, $0xb8;
	[tilespmem:$0x2080] =	vst v63  }
0x2e: {  	_ = 	snop  }
0x2f: {  	[tilespmem:s10], [sflag:$0x1] =	stream.indirect_vreg.gather [hbm4b:s9+s3], $0x80, v2, vm0, $0xb8;
	[tilespmem:$0x2080] =	vst v63  }
0x30: {  	_ = 	snop  }
0x31: {  	[tilespmem:s12], [sflag:$0x1] =	stream.indirect_vreg.gather [hbm4b:s11+s3], $0x80, v2, vm0, $0xb8;
	[tilespmem:$0x2080] =	vst v63  }
0x32: {  	_ =	swait.ge [sflag:s13], $0x2000  }
.Ltmp1:
0x33: {  	[sflag:s13] =	ssyncset.done $0x0;
	(pc) =	sbr.rel @p0 .LBB2_1-.Ltmp1, $4  }
0x34: {  	[sflag:s13] =	ssyncadd.s32 $0xFFFFE000  }
0x35: {  	[hbm4b:s14+s3] =	stream.linear.scatter [tilespmem:s6], [sflag:$0x2], $0x2000, $0x38;
	[tilespmem:$0x2080] =	vst v63  }
0x36: {  	_ =	swait.ge [sflag:s4], $0x2000  }
0x37: {  	[sflag:s4] =	ssyncset.done $0x0  }
.LBB2_2:
0x38: {  	[sflag:s4] =	ssyncadd.s32 $0xFFFFE000  }
0x39: {  	_ =	sfence.sel $0x180000  }
0x3a: {  	[bflag:$0x0] =	sbarrier.arrive $0xFFFF  }
0x3b: {  	p0 =	sne.s32 s0, $0x0;
	_ =	strace $0x90000047  }
0x3c: {  	s0 =	sadd.s32 @!p0 $0x100000, s2;
	[bflag:$0x2] =	sbarrier.arrive $0xFFFF  }
0x3d: {  	[sflag:s0] =	ssyncadd.tile.s32 @!p0 $0x1;
	_ =	shalt  }
.Lfunc_end2:
_tile_overlayer_lowered:
.L_overlay_start_2:
0x3e: {  	(tag) =	ssettag $0x2  }
0x3f: {  	s0 =	rddreg [dreg:$0x0];
	s2 =	stileid.u32  }
0x40: {  	s1 =	rddreg [dreg:$0x1];
	p0 =	sne.s32 s2, $0x0  }
0x41: {  	s3 =	rddreg [dreg:$0x2];
	[bflag:$0x3] =	sbarrier.arrive $0xFFFF;
	s2 =	simm.s32 @!p0 $0x1C02  }
0x42: {  	[timem:s3], [sflag:s2] =	dma.local @!p0 [hbm:s0], s1  }
0x43: {  	s0 =	simm.s32 @!p0 $0x2  }
0x44: {  	_ =	swait.ge @!p0 [sflag:s0], s1  }
0x45: {  	s1 =	ssub.s32 @!p0 $0x0, s1;
	[sflag:s0] =	ssyncset.done @!p0 $0x0  }
0x46: {  	[sflag:s0] =	ssyncadd.s32 @!p0 s1  }
0x47: {  	[bflag:$0x3] =	sbarrier.arrive $0xFFFF  }
0x48: {  	_ =	shalt  }

</sc_bundles>
